<compile_context>
chip_gen: v7x
topology: tpu7x:2x2x1
jax: 0.10.2.dev20260603
libtpu: 0.0.44.dev20260713+nightly
codegen_flags: <defaults>
</compile_context>

<pallas_src>
import jax
import jax.numpy as jnp
from jax import lax
from jax.experimental import pallas as pl
from jax.experimental.pallas import tpu as pltpu
from jax.experimental.pallas import tpu_sc as plsc

N = 10000
E = 160000
D_IN = 256
D_HID = 256
D_OUT = 64

NC = 2
NS = 16
DC = D_IN // NC

EA_PT = E // NS
BA = 125
ITA = EA_PT // BA

EB_PT = E // (NC * NS)
BB = 125
ITB = EB_PT // BB

ROWS_PT = 624
ROWS_TAIL = N - NS * ROWS_PT
_ONES_PAD = ((BA + 15) // 16) * 16

_mesh = plsc.VectorSubcoreMesh(core_axis_name="c", subcore_axis_name="s")


def _rows_copy(src_ref, dst_ref, s):
    pltpu.sync_copy(src_ref.at[pl.ds(s * ROWS_PT, ROWS_PT)],
                    dst_ref.at[pl.ds(s * ROWS_PT, ROWS_PT)])

    @pl.when(s == 0)
    def _():
        pltpu.sync_copy(src_ref.at[pl.ds(NS * ROWS_PT, ROWS_TAIL)],
                        dst_ref.at[pl.ds(NS * ROWS_PT, ROWS_TAIL)])


def _spmm0_body(x_lo, x_hi, src_a, dst_a, zcol, zdeg,
                acc_lo_out, acc_hi_out, deg_out,
                acc_sh, deg_sh, src_sp, dst_sp, rows_v, ones_v, sem):
    c = lax.axis_index("c")
    s = lax.axis_index("s")
    _rows_copy(zcol, acc_sh, s)

    @pl.when(jnp.logical_and(c == 0, s == 0))
    def _():
        pltpu.sync_copy(zdeg, deg_sh)

    pltpu.sync_copy(src_a.at[s], src_sp)
    pltpu.sync_copy(dst_a.at[s], dst_sp)
    for j in range(_ONES_PAD // 16):
        ones_v[pl.ds(j * 16, 16)] = jnp.ones((16,), jnp.float32)
    plsc.subcore_barrier()

    def edge_loop(x_ref, count_deg):
        def body(i, carry):
            pltpu.async_copy(x_ref.at[src_sp.at[i]], rows_v, sem).wait()
            pltpu.sync_copy(rows_v, acc_sh.at[dst_sp.at[i]], add=True)
            if count_deg:
                pltpu.sync_copy(ones_v.at[pl.ds(0, BA)],
                                deg_sh.at[dst_sp.at[i]], add=True)
            return carry
        lax.fori_loop(0, ITA, body, 0)

    @pl.when(c == 0)
    def _():
        edge_loop(x_lo, True)

    @pl.when(c == 1)
    def _():
        edge_loop(x_hi, False)

    plsc.subcore_barrier()

    @pl.when(c == 0)
    def _():
        _rows_copy(acc_sh, acc_lo_out, s)

        @pl.when(s == 0)
        def _():
            pltpu.sync_copy(deg_sh, deg_out)

    @pl.when(c == 1)
    def _():
        _rows_copy(acc_sh, acc_hi_out, s)


_spmm0 = pl.kernel(
    _spmm0_body,
    out_type=[
        jax.ShapeDtypeStruct((N, DC), jnp.float32),
        jax.ShapeDtypeStruct((N, DC), jnp.float32),
        jax.ShapeDtypeStruct((N,), jnp.float32),
    ],
    mesh=_mesh,
    scratch_types=[
        pltpu.VMEM_SHARED((N, DC), jnp.float32),
        pltpu.VMEM_SHARED((N,), jnp.float32),
        pltpu.VMEM((ITA, BA), jnp.int32),
        pltpu.VMEM((ITA, BA), jnp.int32),
        pltpu.VMEM((BA, DC), jnp.float32),
        pltpu.VMEM((_ONES_PAD,), jnp.float32),
        pltpu.SemaphoreType.DMA,
    ],
)


def _spmm1_body(t_h, src_b, dst_b, zcol2, p0_out, p1_out,
                acc_sh, src_sp, dst_sp, rows_v, sem):
    c = lax.axis_index("c")
    s = lax.axis_index("s")
    w = c * NS + s
    _rows_copy(zcol2, acc_sh, s)
    pltpu.sync_copy(src_b.at[w], src_sp)
    pltpu.sync_copy(dst_b.at[w], dst_sp)
    plsc.subcore_barrier()

    def body(i, carry):
        pltpu.async_copy(t_h.at[src_sp.at[i]], rows_v, sem).wait()
        pltpu.sync_copy(rows_v, acc_sh.at[dst_sp.at[i]], add=True)
        return carry
    lax.fori_loop(0, ITB, body, 0)

    plsc.subcore_barrier()

    @pl.when(c == 0)
    def _():
        _rows_copy(acc_sh, p0_out, s)

    @pl.when(c == 1)
    def _():
        _rows_copy(acc_sh, p1_out, s)


_spmm1 = pl.kernel(
    _spmm1_body,
    out_type=[
        jax.ShapeDtypeStruct((N, DC), jnp.float32),
        jax.ShapeDtypeStruct((N, DC), jnp.float32),
    ],
    mesh=_mesh,
    scratch_types=[
        pltpu.VMEM_SHARED((N, DC), jnp.float32),
        pltpu.VMEM((ITB, BB), jnp.int32),
        pltpu.VMEM((ITB, BB), jnp.int32),
        pltpu.VMEM((BB, DC), jnp.float32),
        pltpu.SemaphoreType.DMA,
    ],
)

_R = 1000


def _dense0_body(alo, ahi, deg, x, wl0, bl0, wr0, wl1, act1_o, t_o):
    d = jnp.maximum(deg[...], 1.0)
    w0 = wl0[...]
    z = (jnp.dot(alo[...] / d, w0[:DC, :], preferred_element_type=jnp.float32)
         + jnp.dot(ahi[...] / d, w0[DC:, :], preferred_element_type=jnp.float32)
         + jnp.dot(x[...], wr0[...], preferred_element_type=jnp.float32)
         + bl0[...])
    a = jnp.maximum(z, 0.0)
    act1_o[...] = a
    t = jnp.dot(a, wl1[...], preferred_element_type=jnp.float32)
    t_o[...] = jnp.concatenate(
        [t, jnp.zeros((t.shape[0], DC - D_OUT), jnp.float32)], axis=1)


def _dense0(acc_lo, acc_hi, deg2, x, wl0, bl0, wr0, wl1):
    grid = (N // _R,)
    return pl.pallas_call(
        _dense0_body,
        grid=grid,
        in_specs=[
            pl.BlockSpec((_R, DC), lambda i: (i, 0)),
            pl.BlockSpec((_R, DC), lambda i: (i, 0)),
            pl.BlockSpec((_R, 1), lambda i: (i, 0)),
            pl.BlockSpec((_R, D_IN), lambda i: (i, 0)),
            pl.BlockSpec((D_IN, D_HID), lambda i: (0, 0)),
            pl.BlockSpec((1, D_HID), lambda i: (0, 0)),
            pl.BlockSpec((D_IN, D_HID), lambda i: (0, 0)),
            pl.BlockSpec((D_HID, D_OUT), lambda i: (0, 0)),
        ],
        out_specs=[
            pl.BlockSpec((_R, D_HID), lambda i: (i, 0)),
            pl.BlockSpec((_R, DC), lambda i: (i, 0)),
        ],
        out_shape=[
            jax.ShapeDtypeStruct((N, D_HID), jnp.float32),
            jax.ShapeDtypeStruct((N, DC), jnp.float32),
        ],
    )(acc_lo, acc_hi, deg2, x, wl0, bl0, wr0, wl1)


def _dense1_body(p0, p1, deg, act1, wr1, bl1, out_o):
    d = jnp.maximum(deg[...], 1.0)
    z = ((p0[...][:, :D_OUT] + p1[...][:, :D_OUT]) / d
         + jnp.dot(act1[...], wr1[...], preferred_element_type=jnp.float32)
         + bl1[...])
    m = jnp.max(z, axis=1, keepdims=True)
    ez = jnp.exp(z - m)
    lse = jnp.log(jnp.sum(ez, axis=1, keepdims=True)) + m
    out_o[...] = z - lse


def _dense1(p0, p1, deg2, act1, wr1, bl1):
    grid = (N // _R,)
    return pl.pallas_call(
        _dense1_body,
        grid=grid,
        in_specs=[
            pl.BlockSpec((_R, DC), lambda i: (i, 0)),
            pl.BlockSpec((_R, DC), lambda i: (i, 0)),
            pl.BlockSpec((_R, 1), lambda i: (i, 0)),
            pl.BlockSpec((_R, D_HID), lambda i: (i, 0)),
            pl.BlockSpec((D_HID, D_OUT), lambda i: (0, 0)),
            pl.BlockSpec((1, D_OUT), lambda i: (0, 0)),
        ],
        out_specs=pl.BlockSpec((_R, D_OUT), lambda i: (i, 0)),
        out_shape=jax.ShapeDtypeStruct((N, D_OUT), jnp.float32),
    )(p0, p1, deg2, act1, wr1, bl1)


def kernel(x, adj, default_chunk_size, chunk_sizes_diff,
           W_l0, b_l0, W_r0, W_l1, b_l1, W_r1):
    dst = adj[0].astype(jnp.int32)
    src = adj[1].astype(jnp.int32)
    src_a = src.reshape(NS, ITA, BA)
    dst_a = dst.reshape(NS, ITA, BA)
    src_b = src.reshape(NC * NS, ITB, BB)
    dst_b = dst.reshape(NC * NS, ITB, BB)
    x_lo = x[:, :DC]
    x_hi = x[:, DC:]
    zcol = jnp.zeros((N, DC), jnp.float32)
    zdeg = jnp.zeros((N,), jnp.float32)

    acc_lo, acc_hi, deg = _spmm0(x_lo, x_hi, src_a, dst_a, zcol, zdeg)
    deg2 = deg.reshape(N, 1)
    act1, t = _dense0(acc_lo, acc_hi, deg2, x, W_l0,
                      b_l0.reshape(1, -1), W_r0, W_l1)
    p0, p1 = _spmm1(t, src_b, dst_b, zcol)
    return _dense1(p0, p1, deg2, act1, W_r1, b_l1.reshape(1, -1))

# --- scband reference (transcript-rebuilt; emitter-appended) ---
"""Pipeline reference for scband-sage-66606352826507 (READ-ONLY COPY).

The authoritative reference and input builder live on the scoring server;
editing this copy changes nothing except your own understanding.
"""

import jax, jax.numpy as jnp
import numpy as np

N_NODES = 10000
E_EDGES = 160000
D_IN = 256
D_HID = 256
D_OUT = 64

def setup_inputs(seed: int = 0) -> dict:
    key = jax.random.key(seed)
    ks = jax.random.split(key, 8)
    x = jax.random.normal(ks[0], (N_NODES, D_IN), dtype=jnp.float32)
    adj = jax.random.randint(ks[1], (2, E_EDGES), 0, N_NODES, dtype=jnp.int64)
    # SAGEConv params: lin_l (bias=True), lin_r (bias=False) per layer
    W_l0 = jax.random.normal(ks[2], (D_IN, D_HID), dtype=jnp.float32) * (1.0 / np.sqrt(D_IN))
    b_l0 = jnp.zeros((D_HID,), dtype=jnp.float32)
    W_r0 = jax.random.normal(ks[3], (D_IN, D_HID), dtype=jnp.float32) * (1.0 / np.sqrt(D_IN))
    W_l1 = jax.random.normal(ks[4], (D_HID, D_OUT), dtype=jnp.float32) * (1.0 / np.sqrt(D_HID))
    b_l1 = jnp.zeros((D_OUT,), dtype=jnp.float32)
    W_r1 = jax.random.normal(ks[5], (D_HID, D_OUT), dtype=jnp.float32) * (1.0 / np.sqrt(D_HID))
    return {
        'x': x, 'adj': adj,
        'default_chunk_size': N_NODES, 'chunk_sizes_diff': 0,
        'W_l0': W_l0, 'b_l0': b_l0, 'W_r0': W_r0,
        'W_l1': W_l1, 'b_l1': b_l1, 'W_r1': W_r1,
    }

def _spmm_mean(h, dst, src, num_nodes):
    # matmul(adj, h, reduce='mean'): out[i] = mean_{j in N(i)} h[j]
    gathered = jnp.take(h, src, axis=0)
    s = jax.ops.segment_sum(gathered, dst, num_segments=num_nodes)
    deg = jax.ops.segment_sum(jnp.ones((src.shape[0],), dtype=h.dtype), dst, num_segments=num_nodes)
    return s / jnp.clip(deg, 1.0, None)[:, None]

def reference(x, adj, default_chunk_size, chunk_sizes_diff, W_l0, b_l0, W_r0, W_l1, b_l1, W_r1):
    # World size 1: all_gather(t) -> t[None], reshape flattens back -> identity.
    # chunk_sizes_diff == 0 and x.shape[0] == default_chunk_size -> no padding path.
    # Dropout in eval mode (deterministic reference) -> identity.
    N = x.shape[0]
    dst = adj[0]
    src = adj[1]
    act = x
    # layer 0 (hidden)
    agg = _spmm_mean(act, dst, src, N)
    act = jnp.dot(agg, W_l0) + b_l0 + jnp.dot(act, W_r0)
    act = jax.nn.relu(act)
    # layer 1 (output)
    agg = _spmm_mean(act, dst, src, N)
    act = jnp.dot(agg, W_l1) + b_l1 + jnp.dot(act, W_r1)
    return jax.nn.log_softmax(act, axis=1)

if __name__ == "__main__":
    import jax
    _d = setup_inputs()
    print(jax.jit(kernel)(*tuple(_d.values())))

</pallas_src>

<mosaic_0001>
#map = affine_map<(d0, d1) -> (0, 0)>
#map1 = affine_map<(d0, d1) -> (0, 0, 0)>
#map2 = affine_map<(d0, d1) -> (0)>
module attributes {stable_mosaic.version = 14 : i64} {
  func.func @_spmm0_body(%arg0: i32, %arg1: i32, %arg2: memref<10000x128xf32, #tpu.memory_space<hbm>>, %arg3: memref<10000x128xf32, #tpu.memory_space<hbm>>, %arg4: memref<16x80x125xi32, #tpu.memory_space<hbm>>, %arg5: memref<16x80x125xi32, #tpu.memory_space<hbm>>, %arg6: memref<10000x128xf32, #tpu.memory_space<hbm>>, %arg7: memref<10000xf32, #tpu.memory_space<hbm>>, %arg8: memref<10000x128xf32, #tpu.memory_space<hbm>>, %arg9: memref<10000x128xf32, #tpu.memory_space<hbm>>, %arg10: memref<10000xf32, #tpu.memory_space<hbm>>, %arg11: memref<10000x128xf32, #tpu.memory_space<vmem_shared>>, %arg12: memref<10000xf32, #tpu.memory_space<vmem_shared>>, %arg13: memref<80x125xi32, #tpu.memory_space<vmem>>, %arg14: memref<80x125xi32, #tpu.memory_space<vmem>>, %arg15: memref<125x128xf32, #tpu.memory_space<vmem>>, %arg16: memref<128xf32, #tpu.memory_space<vmem>>, %arg17: memref<!tpu.dma_semaphore, #tpu.memory_space<semaphore_mem>>) attributes {dimension_semantics = [#tpu.dimension_semantics<core_parallel>, #tpu.dimension_semantics<subcore_parallel>], iteration_bounds = array<i64: 2, 16>, scalar_prefetch = 0 : i64, scratch_operands = 7 : i64, tpu.core_type = #tpu.core_type<sc_vector_subcore>, window_params = [{transform_indices = #map}, {transform_indices = #map}, {transform_indices = #map1}, {transform_indices = #map1}, {transform_indices = #map}, {transform_indices = #map2}, {transform_indices = #map}, {transform_indices = #map}, {transform_indices = #map2}]} {
    %mul3A = arith.constant 624 : i32
    %mul3A_0 = arith.muli %arg1, %mul3A : i32
    %mul3A_1 = arith.constant 624 : i32
    %mul3A_2 = arith.muli %arg1, %mul3A_1 : i32
    "tpu.region"() ({
      %run_scoped3A = tpu.sem_alloc : memref<!tpu.dma_semaphore, #tpu.memory_space<semaphore_mem>>
      %dma_start3A = arith.constant 0 : i32
      %dma_start3A_79 = tpu.memref_slice %arg11[%mul3A_2, %dma_start3A] : memref<10000x128xf32, #tpu.memory_space<vmem_shared>> -> memref<624x128xf32, #tpu.memory_space<vmem_shared>>
      %dma_start3A_80 = arith.constant 0 : i32
      %dma_start3A_81 = tpu.memref_slice %arg6[%mul3A_0, %dma_start3A_80] : memref<10000x128xf32, #tpu.memory_space<hbm>> -> memref<624x128xf32, #tpu.memory_space<hbm>>
      tpu.enqueue_dma source(%dma_start3A_81 : memref<624x128xf32, #tpu.memory_space<hbm>>) target(%dma_start3A_79 : memref<624x128xf32, #tpu.memory_space<vmem_shared>>) target_semaphore(%run_scoped3A : memref<!tpu.dma_semaphore, #tpu.memory_space<semaphore_mem>>)
      %dma_wait3A = arith.constant 0 : i32
      %dma_wait3A_82 = tpu.memref_slice %arg11[%mul3A_2, %dma_wait3A] : memref<10000x128xf32, #tpu.memory_space<vmem_shared>> -> memref<624x128xf32, #tpu.memory_space<vmem_shared>>
      %dma_wait3A_83 = arith.constant 0 : i32
      %dma_wait3A_84 = tpu.memref_slice %arg6[%mul3A_0, %dma_wait3A_83] : memref<10000x128xf32, #tpu.memory_space<hbm>> -> memref<624x128xf32, #tpu.memory_space<hbm>>
      tpu.wait_dma2 semaphore(%run_scoped3A : memref<!tpu.dma_semaphore, #tpu.memory_space<semaphore_mem>>) src(%dma_wait3A_84 : memref<624x128xf32, #tpu.memory_space<hbm>>) dst(%dma_wait3A_82 : memref<624x128xf32, #tpu.memory_space<vmem_shared>>)
      tpu.yield
    }) : () -> ()
    %eq3A = arith.constant 0 : i32
    %eq3A_3 = arith.cmpi eq, %arg1, %eq3A : i32
    %convert_element_type3A = arith.extui %eq3A_3 : i1 to i32
    %cond3A = arith.constant 0 : i32
    %cond3A_4 = arith.cmpi ne, %convert_element_type3A, %cond3A : i32
    scf.if %cond3A_4 {
      "tpu.region"() ({
        %run_scoped3A = tpu.sem_alloc : memref<!tpu.dma_semaphore, #tpu.memory_space<semaphore_mem>>
        %dma_start3A = arith.constant 9984 : i32
        %dma_start3A_79 = arith.constant 0 : i32
        %dma_start3A_80 = tpu.memref_slice %arg11[%dma_start3A, %dma_start3A_79] : memref<10000x128xf32, #tpu.memory_space<vmem_shared>> -> memref<16x128xf32, #tpu.memory_space<vmem_shared>>
        %dma_start3A_81 = arith.constant 9984 : i32
        %dma_start3A_82 = arith.constant 0 : i32
        %dma_start3A_83 = tpu.memref_slice %arg6[%dma_start3A_81, %dma_start3A_82] : memref<10000x128xf32, #tpu.memory_space<hbm>> -> memref<16x128xf32, #tpu.memory_space<hbm>>
        tpu.enqueue_dma source(%dma_start3A_83 : memref<16x128xf32, #tpu.memory_space<hbm>>) target(%dma_start3A_80 : memref<16x128xf32, #tpu.memory_space<vmem_shared>>) target_semaphore(%run_scoped3A : memref<!tpu.dma_semaphore, #tpu.memory_space<semaphore_mem>>)
        %dma_wait3A = arith.constant 9984 : i32
        %dma_wait3A_84 = arith.constant 0 : i32
        %dma_wait3A_85 = tpu.memref_slice %arg11[%dma_wait3A, %dma_wait3A_84] : memref<10000x128xf32, #tpu.memory_space<vmem_shared>> -> memref<16x128xf32, #tpu.memory_space<vmem_shared>>
        %dma_wait3A_86 = arith.constant 9984 : i32
        %dma_wait3A_87 = arith.constant 0 : i32
        %dma_wait3A_88 = tpu.memref_slice %arg6[%dma_wait3A_86, %dma_wait3A_87] : memref<10000x128xf32, #tpu.memory_space<hbm>> -> memref<16x128xf32, #tpu.memory_space<hbm>>
        tpu.wait_dma2 semaphore(%run_scoped3A : memref<!tpu.dma_semaphore, #tpu.memory_space<semaphore_mem>>) src(%dma_wait3A_88 : memref<16x128xf32, #tpu.memory_space<hbm>>) dst(%dma_wait3A_85 : memref<16x128xf32, #tpu.memory_space<vmem_shared>>)
        tpu.yield
      }) : () -> ()
    } else {
    }
    %eq3A_5 = arith.constant 0 : i32
    %eq3A_6 = arith.cmpi eq, %arg0, %eq3A_5 : i32
    %eq3A_7 = arith.constant 0 : i32
    %eq3A_8 = arith.cmpi eq, %arg1, %eq3A_7 : i32
    %and3A = arith.andi %eq3A_6, %eq3A_8 : i1
    %convert_element_type3A_9 = arith.extui %and3A : i1 to i32
    %cond3A_10 = arith.constant 0 : i32
    %cond3A_11 = arith.cmpi ne, %convert_element_type3A_9, %cond3A_10 : i32
    scf.if %cond3A_11 {
      "tpu.region"() ({
        %run_scoped3A = tpu.sem_alloc : memref<!tpu.dma_semaphore, #tpu.memory_space<semaphore_mem>>
        tpu.enqueue_dma source(%arg7 : memref<10000xf32, #tpu.memory_space<hbm>>) target(%arg12 : memref<10000xf32, #tpu.memory_space<vmem_shared>>) target_semaphore(%run_scoped3A : memref<!tpu.dma_semaphore, #tpu.memory_space<semaphore_mem>>)
        tpu.wait_dma2 semaphore(%run_scoped3A : memref<!tpu.dma_semaphore, #tpu.memory_space<semaphore_mem>>) src(%arg7 : memref<10000xf32, #tpu.memory_space<hbm>>) dst(%arg12 : memref<10000xf32, #tpu.memory_space<vmem_shared>>)
        tpu.yield
      }) : () -> ()
    } else {
    }
    "tpu.region"() ({
      %run_scoped3A = tpu.sem_alloc : memref<!tpu.dma_semaphore, #tpu.memory_space<semaphore_mem>>
      %dma_start3A = arith.constant 0 : i32
      %dma_start3A_79 = arith.constant 0 : i32
      %dma_start3A_80 = tpu.memref_slice %arg4[%arg1, %dma_start3A, %dma_start3A_79] : memref<16x80x125xi32, #tpu.memory_space<hbm>> -> memref<1x80x125xi32, #tpu.memory_space<hbm>>
      %dma_start3A_81 = tpu.memref_squeeze %dma_start3A_80 : memref<1x80x125xi32, #tpu.memory_space<hbm>> -> memref<80x125xi32, #tpu.memory_space<hbm>>
      %dma_start3A_82 = arith.constant 0 : i32
      %dma_start3A_83 = arith.constant 0 : i32
      %dma_start3A_84 = tpu.memref_slice %arg4[%arg1, %dma_start3A_82, %dma_start3A_83] : memref<16x80x125xi32, #tpu.memory_space<hbm>> -> memref<1x80x125xi32, #tpu.memory_space<hbm>>
      %dma_start3A_85 = tpu.memref_squeeze %dma_start3A_84 : memref<1x80x125xi32, #tpu.memory_space<hbm>> -> memref<80x125xi32, #tpu.memory_space<hbm>>
      tpu.enqueue_dma source(%dma_start3A_85 : memref<80x125xi32, #tpu.memory_space<hbm>>) target(%arg13 : memref<80x125xi32, #tpu.memory_space<vmem>>) target_semaphore(%run_scoped3A : memref<!tpu.dma_semaphore, #tpu.memory_space<semaphore_mem>>)
      %dma_wait3A = arith.constant 0 : i32
      %dma_wait3A_86 = arith.constant 0 : i32
      %dma_wait3A_87 = tpu.memref_slice %arg4[%arg1, %dma_wait3A, %dma_wait3A_86] : memref<16x80x125xi32, #tpu.memory_space<hbm>> -> memref<1x80x125xi32, #tpu.memory_space<hbm>>
      %dma_wait3A_88 = tpu.memref_squeeze %dma_wait3A_87 : memref<1x80x125xi32, #tpu.memory_space<hbm>> -> memref<80x125xi32, #tpu.memory_space<hbm>>
      %dma_wait3A_89 = arith.constant 0 : i32
      %dma_wait3A_90 = arith.constant 0 : i32
      %dma_wait3A_91 = tpu.memref_slice %arg4[%arg1, %dma_wait3A_89, %dma_wait3A_90] : memref<16x80x125xi32, #tpu.memory_space<hbm>> -> memref<1x80x125xi32, #tpu.memory_space<hbm>>
      %dma_wait3A_92 = tpu.memref_squeeze %dma_wait3A_91 : memref<1x80x125xi32, #tpu.memory_space<hbm>> -> memref<80x125xi32, #tpu.memory_space<hbm>>
      tpu.wait_dma2 semaphore(%run_scoped3A : memref<!tpu.dma_semaphore, #tpu.memory_space<semaphore_mem>>) src(%dma_wait3A_92 : memref<80x125xi32, #tpu.memory_space<hbm>>) dst(%arg13 : memref<80x125xi32, #tpu.memory_space<vmem>>)
      tpu.yield
    }) : () -> ()
    "tpu.region"() ({
      %run_scoped3A = tpu.sem_alloc : memref<!tpu.dma_semaphore, #tpu.memory_space<semaphore_mem>>
      %dma_start3A = arith.constant 0 : i32
      %dma_start3A_79 = arith.constant 0 : i32
      %dma_start3A_80 = tpu.memref_slice %arg5[%arg1, %dma_start3A, %dma_start3A_79] : memref<16x80x125xi32, #tpu.memory_space<hbm>> -> memref<1x80x125xi32, #tpu.memory_space<hbm>>
      %dma_start3A_81 = tpu.memref_squeeze %dma_start3A_80 : memref<1x80x125xi32, #tpu.memory_space<hbm>> -> memref<80x125xi32, #tpu.memory_space<hbm>>
      %dma_start3A_82 = arith.constant 0 : i32
      %dma_start3A_83 = arith.constant 0 : i32
      %dma_start3A_84 = tpu.memref_slice %arg5[%arg1, %dma_start3A_82, %dma_start3A_83] : memref<16x80x125xi32, #tpu.memory_space<hbm>> -> memref<1x80x125xi32, #tpu.memory_space<hbm>>
      %dma_start3A_85 = tpu.memref_squeeze %dma_start3A_84 : memref<1x80x125xi32, #tpu.memory_space<hbm>> -> memref<80x125xi32, #tpu.memory_space<hbm>>
      tpu.enqueue_dma source(%dma_start3A_85 : memref<80x125xi32, #tpu.memory_space<hbm>>) target(%arg14 : memref<80x125xi32, #tpu.memory_space<vmem>>) target_semaphore(%run_scoped3A : memref<!tpu.dma_semaphore, #tpu.memory_space<semaphore_mem>>)
      %dma_wait3A = arith.constant 0 : i32
      %dma_wait3A_86 = arith.constant 0 : i32
      %dma_wait3A_87 = tpu.memref_slice %arg5[%arg1, %dma_wait3A, %dma_wait3A_86] : memref<16x80x125xi32, #tpu.memory_space<hbm>> -> memref<1x80x125xi32, #tpu.memory_space<hbm>>
      %dma_wait3A_88 = tpu.memref_squeeze %dma_wait3A_87 : memref<1x80x125xi32, #tpu.memory_space<hbm>> -> memref<80x125xi32, #tpu.memory_space<hbm>>
      %dma_wait3A_89 = arith.constant 0 : i32
      %dma_wait3A_90 = arith.constant 0 : i32
      %dma_wait3A_91 = tpu.memref_slice %arg5[%arg1, %dma_wait3A_89, %dma_wait3A_90] : memref<16x80x125xi32, #tpu.memory_space<hbm>> -> memref<1x80x125xi32, #tpu.memory_space<hbm>>
      %dma_wait3A_92 = tpu.memref_squeeze %dma_wait3A_91 : memref<1x80x125xi32, #tpu.memory_space<hbm>> -> memref<80x125xi32, #tpu.memory_space<hbm>>
      tpu.wait_dma2 semaphore(%run_scoped3A : memref<!tpu.dma_semaphore, #tpu.memory_space<semaphore_mem>>) src(%dma_wait3A_92 : memref<80x125xi32, #tpu.memory_space<hbm>>) dst(%arg14 : memref<80x125xi32, #tpu.memory_space<vmem>>)
      tpu.yield
    }) : () -> ()
    %broadcast_in_dim3A = arith.constant 1.000000e+00 : f32
    %broadcast_in_dim3A_12 = vector.broadcast %broadcast_in_dim3A : f32 to vector<16xf32>
    %swap3A = arith.constant 0 : index
    %swap3A_13 = tpu.vector_load %arg16[%swap3A] {strides = array<i32>} : memref<128xf32, #tpu.memory_space<vmem>>, vector<16xf32>,
    %swap3A_14 = vector.shape_cast %swap3A_13 : vector<16xf32> to vector<16xf32>
    %swap3A_15 = vector.shape_cast %broadcast_in_dim3A_12 : vector<16xf32> to vector<16xf32>
    tpu.vector_store %arg16[%swap3A], %swap3A_15 {strides = array<i32>} : memref<128xf32, #tpu.memory_space<vmem>>, vector<16xf32>,
    %broadcast_in_dim3A_16 = arith.constant 1.000000e+00 : f32
    %broadcast_in_dim3A_17 = vector.broadcast %broadcast_in_dim3A_16 : f32 to vector<16xf32>
    %swap3A_18 = arith.constant 16 : index
    %swap3A_19 = tpu.vector_load %arg16[%swap3A_18] {strides = array<i32>} : memref<128xf32, #tpu.memory_space<vmem>>, vector<16xf32>,
    %swap3A_20 = vector.shape_cast %swap3A_19 : vector<16xf32> to vector<16xf32>
    %swap3A_21 = vector.shape_cast %broadcast_in_dim3A_17 : vector<16xf32> to vector<16xf32>
    tpu.vector_store %arg16[%swap3A_18], %swap3A_21 {strides = array<i32>} : memref<128xf32, #tpu.memory_space<vmem>>, vector<16xf32>,
    %broadcast_in_dim3A_22 = arith.constant 1.000000e+00 : f32
    %broadcast_in_dim3A_23 = vector.broadcast %broadcast_in_dim3A_22 : f32 to vector<16xf32>
    %swap3A_24 = arith.constant 32 : index
    %swap3A_25 = tpu.vector_load %arg16[%swap3A_24] {strides = array<i32>} : memref<128xf32, #tpu.memory_space<vmem>>, vector<16xf32>,
    %swap3A_26 = vector.shape_cast %swap3A_25 : vector<16xf32> to vector<16xf32>
    %swap3A_27 = vector.shape_cast %broadcast_in_dim3A_23 : vector<16xf32> to vector<16xf32>
    tpu.vector_store %arg16[%swap3A_24], %swap3A_27 {strides = array<i32>} : memref<128xf32, #tpu.memory_space<vmem>>, vector<16xf32>,
    %broadcast_in_dim3A_28 = arith.constant 1.000000e+00 : f32
    %broadcast_in_dim3A_29 = vector.broadcast %broadcast_in_dim3A_28 : f32 to vector<16xf32>
    %swap3A_30 = arith.constant 48 : index
    %swap3A_31 = tpu.vector_load %arg16[%swap3A_30] {strides = array<i32>} : memref<128xf32, #tpu.memory_space<vmem>>, vector<16xf32>,
    %swap3A_32 = vector.shape_cast %swap3A_31 : vector<16xf32> to vector<16xf32>
    %swap3A_33 = vector.shape_cast %broadcast_in_dim3A_29 : vector<16xf32> to vector<16xf32>
    tpu.vector_store %arg16[%swap3A_30], %swap3A_33 {strides = array<i32>} : memref<128xf32, #tpu.memory_space<vmem>>, vector<16xf32>,
    %broadcast_in_dim3A_34 = arith.constant 1.000000e+00 : f32
    %broadcast_in_dim3A_35 = vector.broadcast %broadcast_in_dim3A_34 : f32 to vector<16xf32>
    %swap3A_36 = arith.constant 64 : index
    %swap3A_37 = tpu.vector_load %arg16[%swap3A_36] {strides = array<i32>} : memref<128xf32, #tpu.memory_space<vmem>>, vector<16xf32>,
    %swap3A_38 = vector.shape_cast %swap3A_37 : vector<16xf32> to vector<16xf32>
    %swap3A_39 = vector.shape_cast %broadcast_in_dim3A_35 : vector<16xf32> to vector<16xf32>
    tpu.vector_store %arg16[%swap3A_36], %swap3A_39 {strides = array<i32>} : memref<128xf32, #tpu.memory_space<vmem>>, vector<16xf32>,
    %broadcast_in_dim3A_40 = arith.constant 1.000000e+00 : f32
    %broadcast_in_dim3A_41 = vector.broadcast %broadcast_in_dim3A_40 : f32 to vector<16xf32>
    %swap3A_42 = arith.constant 80 : index
    %swap3A_43 = tpu.vector_load %arg16[%swap3A_42] {strides = array<i32>} : memref<128xf32, #tpu.memory_space<vmem>>, vector<16xf32>,
    %swap3A_44 = vector.shape_cast %swap3A_43 : vector<16xf32> to vector<16xf32>
    %swap3A_45 = vector.shape_cast %broadcast_in_dim3A_41 : vector<16xf32> to vector<16xf32>
    tpu.vector_store %arg16[%swap3A_42], %swap3A_45 {strides = array<i32>} : memref<128xf32, #tpu.memory_space<vmem>>, vector<16xf32>,
    %broadcast_in_dim3A_46 = arith.constant 1.000000e+00 : f32
    %broadcast_in_dim3A_47 = vector.broadcast %broadcast_in_dim3A_46 : f32 to vector<16xf32>
    %swap3A_48 = arith.constant 96 : index
    %swap3A_49 = tpu.vector_load %arg16[%swap3A_48] {strides = array<i32>} : memref<128xf32, #tpu.memory_space<vmem>>, vector<16xf32>,
    %swap3A_50 = vector.shape_cast %swap3A_49 : vector<16xf32> to vector<16xf32>
    %swap3A_51 = vector.shape_cast %broadcast_in_dim3A_47 : vector<16xf32> to vector<16xf32>
    tpu.vector_store %arg16[%swap3A_48], %swap3A_51 {strides = array<i32>} : memref<128xf32, #tpu.memory_space<vmem>>, vector<16xf32>,
    %broadcast_in_dim3A_52 = arith.constant 1.000000e+00 : f32
    %broadcast_in_dim3A_53 = vector.broadcast %broadcast_in_dim3A_52 : f32 to vector<16xf32>
    %swap3A_54 = arith.constant 112 : index
    %swap3A_55 = tpu.vector_load %arg16[%swap3A_54] {strides = array<i32>} : memref<128xf32, #tpu.memory_space<vmem>>, vector<16xf32>,
    %swap3A_56 = vector.shape_cast %swap3A_55 : vector<16xf32> to vector<16xf32>
    %swap3A_57 = vector.shape_cast %broadcast_in_dim3A_53 : vector<16xf32> to vector<16xf32>
    tpu.vector_store %arg16[%swap3A_54], %swap3A_57 {strides = array<i32>} : memref<128xf32, #tpu.memory_space<vmem>>, vector<16xf32>,
    %barrier3A = arith.constant 0 : index
    tpu.barrier barrier_id(%barrier3A)
    %eq3A_58 = arith.constant 0 : i32
    %eq3A_59 = arith.cmpi eq, %arg0, %eq3A_58 : i32
    %convert_element_type3A_60 = arith.extui %eq3A_59 : i1 to i32
    %cond3A_61 = arith.constant 0 : i32
    %cond3A_62 = arith.cmpi ne, %convert_element_type3A_60, %cond3A_61 : i32
    scf.if %cond3A_62 {
      %scan3A = arith.constant 0 : i32
      %scan3A_79 = arith.constant 0 : i32
      %scan3A_80 = arith.constant 80 : i32
      %scan3A_81 = arith.addi %scan3A_79, %scan3A_80 : i32
      %scan3A_82 = arith.constant 1 : i32
      scf.for %scan3A_84 = %scan3A_79 to %scan3A_81 step %scan3A_82  : i32 {
        %dma_start3A = arith.constant 0 : i32
        %dma_start3A_85 = tpu.memref_slice %arg13[%scan3A_84, %dma_start3A] : memref<80x125xi32, #tpu.memory_space<vmem>> -> memref<1x125xi32, #tpu.memory_space<vmem>>
        %dma_start3A_86 = tpu.memref_squeeze %dma_start3A_85 : memref<1x125xi32, #tpu.memory_space<vmem>> -> memref<125xi32, #tpu.memory_space<vmem>>
        %dma_start3A_87 = arith.constant 0 : i32
        %dma_start3A_88 = arith.constant 0 : i32
        %dma_start3A_89 = tpu.memref_slice %arg2[%dma_start3A_87, %dma_start3A_88] : memref<10000x128xf32, #tpu.memory_space<hbm>> -> memref<10000x128xf32, #tpu.memory_space<hbm>>
        tpu.enqueue_indirect_dma source(%dma_start3A_89 : memref<10000x128xf32, #tpu.memory_space<hbm>>) target(%arg15 : memref<125x128xf32, #tpu.memory_space<vmem>>) offsets(%dma_start3A_86 : memref<125xi32, #tpu.memory_space<vmem>>) semaphore(%arg17 : memref<!tpu.dma_semaphore, #tpu.memory_space<semaphore_mem>>)
        %dma_wait3A = arith.constant 0 : i32
        %dma_wait3A_90 = tpu.memref_slice %arg13[%scan3A_84, %dma_wait3A] : memref<80x125xi32, #tpu.memory_space<vmem>> -> memref<1x125xi32, #tpu.memory_space<vmem>>
        %dma_wait3A_91 = tpu.memref_squeeze %dma_wait3A_90 : memref<1x125xi32, #tpu.memory_space<vmem>> -> memref<125xi32, #tpu.memory_space<vmem>>
        %dma_wait3A_92 = arith.constant 0 : i32
        %dma_wait3A_93 = arith.constant 0 : i32
        %dma_wait3A_94 = tpu.memref_slice %arg2[%dma_wait3A_92, %dma_wait3A_93] : memref<10000x128xf32, #tpu.memory_space<hbm>> -> memref<10000x128xf32, #tpu.memory_space<hbm>>
        tpu.wait_indirect_dma semaphore(%arg17 : memref<!tpu.dma_semaphore, #tpu.memory_space<semaphore_mem>>) src(%dma_wait3A_94 : memref<10000x128xf32, #tpu.memory_space<hbm>>) dst(%arg15 : memref<125x128xf32, #tpu.memory_space<vmem>>)
        "tpu.region"() ({
          %run_scoped3A = tpu.sem_alloc : memref<!tpu.dma_semaphore, #tpu.memory_space<semaphore_mem>>
          %dma_start3A_95 = arith.constant 0 : i32
          %dma_start3A_96 = tpu.memref_slice %arg14[%scan3A_84, %dma_start3A_95] : memref<80x125xi32, #tpu.memory_space<vmem>> -> memref<1x125xi32, #tpu.memory_space<vmem>>
          %dma_start3A_97 = tpu.memref_squeeze %dma_start3A_96 : memref<1x125xi32, #tpu.memory_space<vmem>> -> memref<125xi32, #tpu.memory_space<vmem>>
          %dma_start3A_98 = arith.constant 0 : i32
          %dma_start3A_99 = arith.constant 0 : i32
          %dma_start3A_100 = tpu.memref_slice %arg11[%dma_start3A_98, %dma_start3A_99] : memref<10000x128xf32, #tpu.memory_space<vmem_shared>> -> memref<10000x128xf32, #tpu.memory_space<vmem_shared>>
          tpu.enqueue_indirect_dma source(%arg15 : memref<125x128xf32, #tpu.memory_space<vmem>>) target(%dma_start3A_100 : memref<10000x128xf32, #tpu.memory_space<vmem_shared>>) offsets(%dma_start3A_97 : memref<125xi32, #tpu.memory_space<vmem>>) semaphore(%run_scoped3A : memref<!tpu.dma_semaphore, #tpu.memory_space<semaphore_mem>>) {add = true}
          %dma_wait3A_101 = arith.constant 0 : i32
          %dma_wait3A_102 = tpu.memref_slice %arg14[%scan3A_84, %dma_wait3A_101] : memref<80x125xi32, #tpu.memory_space<vmem>> -> memref<1x125xi32, #tpu.memory_space<vmem>>
          %dma_wait3A_103 = tpu.memref_squeeze %dma_wait3A_102 : memref<1x125xi32, #tpu.memory_space<vmem>> -> memref<125xi32, #tpu.memory_space<vmem>>
          %dma_wait3A_104 = arith.constant 0 : i32
          %dma_wait3A_105 = arith.constant 0 : i32
          %dma_wait3A_106 = tpu.memref_slice %arg11[%dma_wait3A_104, %dma_wait3A_105] : memref<10000x128xf32, #tpu.memory_space<vmem_shared>> -> memref<10000x128xf32, #tpu.memory_space<vmem_shared>>
          tpu.wait_indirect_dma semaphore(%run_scoped3A : memref<!tpu.dma_semaphore, #tpu.memory_space<semaphore_mem>>) src(%arg15 : memref<125x128xf32, #tpu.memory_space<vmem>>) dst(%dma_wait3A_106 : memref<10000x128xf32, #tpu.memory_space<vmem_shared>>)
          tpu.yield
        }) : () -> ()
        "tpu.region"() ({
          %run_scoped3A = tpu.sem_alloc : memref<!tpu.dma_semaphore, #tpu.memory_space<semaphore_mem>>
          %dma_start3A_95 = arith.constant 0 : i32
          %dma_start3A_96 = tpu.memref_slice %arg16[%dma_start3A_95] : memref<128xf32, #tpu.memory_space<vmem>> -> memref<125xf32, #tpu.memory_space<vmem>>
          %dma_start3A_97 = arith.constant 0 : i32
          %dma_start3A_98 = tpu.memref_slice %arg14[%scan3A_84, %dma_start3A_97] : memref<80x125xi32, #tpu.memory_space<vmem>> -> memref<1x125xi32, #tpu.memory_space<vmem>>
          %dma_start3A_99 = tpu.memref_squeeze %dma_start3A_98 : memref<1x125xi32, #tpu.memory_space<vmem>> -> memref<125xi32, #tpu.memory_space<vmem>>
          %dma_start3A_100 = arith.constant 0 : i32
          %dma_start3A_101 = tpu.memref_slice %arg12[%dma_start3A_100] : memref<10000xf32, #tpu.memory_space<vmem_shared>> -> memref<10000xf32, #tpu.memory_space<vmem_shared>>
          tpu.enqueue_indirect_dma source(%dma_start3A_96 : memref<125xf32, #tpu.memory_space<vmem>>) target(%dma_start3A_101 : memref<10000xf32, #tpu.memory_space<vmem_shared>>) offsets(%dma_start3A_99 : memref<125xi32, #tpu.memory_space<vmem>>) semaphore(%run_scoped3A : memref<!tpu.dma_semaphore, #tpu.memory_space<semaphore_mem>>) {add = true}
          %dma_wait3A_102 = arith.constant 0 : i32
          %dma_wait3A_103 = tpu.memref_slice %arg16[%dma_wait3A_102] : memref<128xf32, #tpu.memory_space<vmem>> -> memref<125xf32, #tpu.memory_space<vmem>>
          %dma_wait3A_104 = arith.constant 0 : i32
          %dma_wait3A_105 = tpu.memref_slice %arg14[%scan3A_84, %dma_wait3A_104] : memref<80x125xi32, #tpu.memory_space<vmem>> -> memref<1x125xi32, #tpu.memory_space<vmem>>
          %dma_wait3A_106 = tpu.memref_squeeze %dma_wait3A_105 : memref<1x125xi32, #tpu.memory_space<vmem>> -> memref<125xi32, #tpu.memory_space<vmem>>
          %dma_wait3A_107 = arith.constant 0 : i32
          %dma_wait3A_108 = tpu.memref_slice %arg12[%dma_wait3A_107] : memref<10000xf32, #tpu.memory_space<vmem_shared>> -> memref<10000xf32, #tpu.memory_space<vmem_shared>>
          tpu.wait_indirect_dma semaphore(%run_scoped3A : memref<!tpu.dma_semaphore, #tpu.memory_space<semaphore_mem>>) src(%dma_wait3A_103 : memref<125xf32, #tpu.memory_space<vmem>>) dst(%dma_wait3A_108 : memref<10000xf32, #tpu.memory_space<vmem_shared>>)
          tpu.yield
        }) : () -> ()
      }
      %scan3A_83 = arith.constant 80 : i32
    } else {
    }
    %eq3A_63 = arith.constant 1 : i32
    %eq3A_64 = arith.cmpi eq, %arg0, %eq3A_63 : i32
    %convert_element_type3A_65 = arith.extui %eq3A_64 : i1 to i32
    %cond3A_66 = arith.constant 0 : i32
    %cond3A_67 = arith.cmpi ne, %convert_element_type3A_65, %cond3A_66 : i32
    scf.if %cond3A_67 {
      %scan3A = arith.constant 0 : i32
      %scan3A_79 = arith.constant 0 : i32
      %scan3A_80 = arith.constant 80 : i32
      %scan3A_81 = arith.addi %scan3A_79, %scan3A_80 : i32
      %scan3A_82 = arith.constant 1 : i32
      scf.for %scan3A_84 = %scan3A_79 to %scan3A_81 step %scan3A_82  : i32 {
        %dma_start3A = arith.constant 0 : i32
        %dma_start3A_85 = tpu.memref_slice %arg13[%scan3A_84, %dma_start3A] : memref<80x125xi32, #tpu.memory_space<vmem>> -> memref<1x125xi32, #tpu.memory_space<vmem>>
        %dma_start3A_86 = tpu.memref_squeeze %dma_start3A_85 : memref<1x125xi32, #tpu.memory_space<vmem>> -> memref<125xi32, #tpu.memory_space<vmem>>
        %dma_start3A_87 = arith.constant 0 : i32
        %dma_start3A_88 = arith.constant 0 : i32
        %dma_start3A_89 = tpu.memref_slice %arg3[%dma_start3A_87, %dma_start3A_88] : memref<10000x128xf32, #tpu.memory_space<hbm>> -> memref<10000x128xf32, #tpu.memory_space<hbm>>
        tpu.enqueue_indirect_dma source(%dma_start3A_89 : memref<10000x128xf32, #tpu.memory_space<hbm>>) target(%arg15 : memref<125x128xf32, #tpu.memory_space<vmem>>) offsets(%dma_start3A_86 : memref<125xi32, #tpu.memory_space<vmem>>) semaphore(%arg17 : memref<!tpu.dma_semaphore, #tpu.memory_space<semaphore_mem>>)
        %dma_wait3A = arith.constant 0 : i32
        %dma_wait3A_90 = tpu.memref_slice %arg13[%scan3A_84, %dma_wait3A] : memref<80x125xi32, #tpu.memory_space<vmem>> -> memref<1x125xi32, #tpu.memory_space<vmem>>
        %dma_wait3A_91 = tpu.memref_squeeze %dma_wait3A_90 : memref<1x125xi32, #tpu.memory_space<vmem>> -> memref<125xi32, #tpu.memory_space<vmem>>
        %dma_wait3A_92 = arith.constant 0 : i32
        %dma_wait3A_93 = arith.constant 0 : i32
        %dma_wait3A_94 = tpu.memref_slice %arg3[%dma_wait3A_92, %dma_wait3A_93] : memref<10000x128xf32, #tpu.memory_space<hbm>> -> memref<10000x128xf32, #tpu.memory_space<hbm>>
        tpu.wait_indirect_dma semaphore(%arg17 : memref<!tpu.dma_semaphore, #tpu.memory_space<semaphore_mem>>) src(%dma_wait3A_94 : memref<10000x128xf32, #tpu.memory_space<hbm>>) dst(%arg15 : memref<125x128xf32, #tpu.memory_space<vmem>>)
        "tpu.region"() ({
          %run_scoped3A = tpu.sem_alloc : memref<!tpu.dma_semaphore, #tpu.memory_space<semaphore_mem>>
          %dma_start3A_95 = arith.constant 0 : i32
          %dma_start3A_96 = tpu.memref_slice %arg14[%scan3A_84, %dma_start3A_95] : memref<80x125xi32, #tpu.memory_space<vmem>> -> memref<1x125xi32, #tpu.memory_space<vmem>>
          %dma_start3A_97 = tpu.memref_squeeze %dma_start3A_96 : memref<1x125xi32, #tpu.memory_space<vmem>> -> memref<125xi32, #tpu.memory_space<vmem>>
          %dma_start3A_98 = arith.constant 0 : i32
          %dma_start3A_99 = arith.constant 0 : i32
          %dma_start3A_100 = tpu.memref_slice %arg11[%dma_start3A_98, %dma_start3A_99] : memref<10000x128xf32, #tpu.memory_space<vmem_shared>> -> memref<10000x128xf32, #tpu.memory_space<vmem_shared>>
          tpu.enqueue_indirect_dma source(%arg15 : memref<125x128xf32, #tpu.memory_space<vmem>>) target(%dma_start3A_100 : memref<10000x128xf32, #tpu.memory_space<vmem_shared>>) offsets(%dma_start3A_97 : memref<125xi32, #tpu.memory_space<vmem>>) semaphore(%run_scoped3A : memref<!tpu.dma_semaphore, #tpu.memory_space<semaphore_mem>>) {add = true}
          %dma_wait3A_101 = arith.constant 0 : i32
          %dma_wait3A_102 = tpu.memref_slice %arg14[%scan3A_84, %dma_wait3A_101] : memref<80x125xi32, #tpu.memory_space<vmem>> -> memref<1x125xi32, #tpu.memory_space<vmem>>
          %dma_wait3A_103 = tpu.memref_squeeze %dma_wait3A_102 : memref<1x125xi32, #tpu.memory_space<vmem>> -> memref<125xi32, #tpu.memory_space<vmem>>
          %dma_wait3A_104 = arith.constant 0 : i32
          %dma_wait3A_105 = arith.constant 0 : i32
          %dma_wait3A_106 = tpu.memref_slice %arg11[%dma_wait3A_104, %dma_wait3A_105] : memref<10000x128xf32, #tpu.memory_space<vmem_shared>> -> memref<10000x128xf32, #tpu.memory_space<vmem_shared>>
          tpu.wait_indirect_dma semaphore(%run_scoped3A : memref<!tpu.dma_semaphore, #tpu.memory_space<semaphore_mem>>) src(%arg15 : memref<125x128xf32, #tpu.memory_space<vmem>>) dst(%dma_wait3A_106 : memref<10000x128xf32, #tpu.memory_space<vmem_shared>>)
          tpu.yield
        }) : () -> ()
      }
      %scan3A_83 = arith.constant 80 : i32
    } else {
    }
    %barrier3A_68 = arith.constant 0 : index
    tpu.barrier barrier_id(%barrier3A_68)
    %eq3A_69 = arith.constant 0 : i32
    %eq3A_70 = arith.cmpi eq, %arg0, %eq3A_69 : i32
    %convert_element_type3A_71 = arith.extui %eq3A_70 : i1 to i32
    %cond3A_72 = arith.constant 0 : i32
    %cond3A_73 = arith.cmpi ne, %convert_element_type3A_71, %cond3A_72 : i32
    scf.if %cond3A_73 {
      %mul3A_79 = arith.constant 624 : i32
      %mul3A_80 = arith.muli %arg1, %mul3A_79 : i32
      %mul3A_81 = arith.constant 624 : i32
      %mul3A_82 = arith.muli %arg1, %mul3A_81 : i32
      "tpu.region"() ({
        %run_scoped3A = tpu.sem_alloc : memref<!tpu.dma_semaphore, #tpu.memory_space<semaphore_mem>>
        %dma_start3A = arith.constant 0 : i32
        %dma_start3A_93 = tpu.memref_slice %arg8[%mul3A_82, %dma_start3A] : memref<10000x128xf32, #tpu.memory_space<hbm>> -> memref<624x128xf32, #tpu.memory_space<hbm>>
        %dma_start3A_94 = arith.constant 0 : i32
        %dma_start3A_95 = tpu.memref_slice %arg11[%mul3A_80, %dma_start3A_94] : memref<10000x128xf32, #tpu.memory_space<vmem_shared>> -> memref<624x128xf32, #tpu.memory_space<vmem_shared>>
        tpu.enqueue_dma source(%dma_start3A_95 : memref<624x128xf32, #tpu.memory_space<vmem_shared>>) target(%dma_start3A_93 : memref<624x128xf32, #tpu.memory_space<hbm>>) target_semaphore(%run_scoped3A : memref<!tpu.dma_semaphore, #tpu.memory_space<semaphore_mem>>)
        %dma_wait3A = arith.constant 0 : i32
        %dma_wait3A_96 = tpu.memref_slice %arg8[%mul3A_82, %dma_wait3A] : memref<10000x128xf32, #tpu.memory_space<hbm>> -> memref<624x128xf32, #tpu.memory_space<hbm>>
        %dma_wait3A_97 = arith.constant 0 : i32
        %dma_wait3A_98 = tpu.memref_slice %arg11[%mul3A_80, %dma_wait3A_97] : memref<10000x128xf32, #tpu.memory_space<vmem_shared>> -> memref<624x128xf32, #tpu.memory_space<vmem_shared>>
        tpu.wait_dma2 semaphore(%run_scoped3A : memref<!tpu.dma_semaphore, #tpu.memory_space<semaphore_mem>>) src(%dma_wait3A_98 : memref<624x128xf32, #tpu.memory_space<vmem_shared>>) dst(%dma_wait3A_96 : memref<624x128xf32, #tpu.memory_space<hbm>>)
        tpu.yield
      }) : () -> ()
      %eq3A_83 = arith.constant 0 : i32
      %eq3A_84 = arith.cmpi eq, %arg1, %eq3A_83 : i32
      %convert_element_type3A_85 = arith.extui %eq3A_84 : i1 to i32
      %cond3A_86 = arith.constant 0 : i32
      %cond3A_87 = arith.cmpi ne, %convert_element_type3A_85, %cond3A_86 : i32
      scf.if %cond3A_87 {
        "tpu.region"() ({
          %run_scoped3A = tpu.sem_alloc : memref<!tpu.dma_semaphore, #tpu.memory_space<semaphore_mem>>
          %dma_start3A = arith.constant 9984 : i32
          %dma_start3A_93 = arith.constant 0 : i32
          %dma_start3A_94 = tpu.memref_slice %arg8[%dma_start3A, %dma_start3A_93] : memref<10000x128xf32, #tpu.memory_space<hbm>> -> memref<16x128xf32, #tpu.memory_space<hbm>>
          %dma_start3A_95 = arith.constant 9984 : i32
          %dma_start3A_96 = arith.constant 0 : i32
          %dma_start3A_97 = tpu.memref_slice %arg11[%dma_start3A_95, %dma_start3A_96] : memref<10000x128xf32, #tpu.memory_space<vmem_shared>> -> memref<16x128xf32, #tpu.memory_space<vmem_shared>>
          tpu.enqueue_dma source(%dma_start3A_97 : memref<16x128xf32, #tpu.memory_space<vmem_shared>>) target(%dma_start3A_94 : memref<16x128xf32, #tpu.memory_space<hbm>>) target_semaphore(%run_scoped3A : memref<!tpu.dma_semaphore, #tpu.memory_space<semaphore_mem>>)
          %dma_wait3A = arith.constant 9984 : i32
          %dma_wait3A_98 = arith.constant 0 : i32
          %dma_wait3A_99 = tpu.memref_slice %arg8[%dma_wait3A, %dma_wait3A_98] : memref<10000x128xf32, #tpu.memory_space<hbm>> -> memref<16x128xf32, #tpu.memory_space<hbm>>
          %dma_wait3A_100 = arith.constant 9984 : i32
          %dma_wait3A_101 = arith.constant 0 : i32
          %dma_wait3A_102 = tpu.memref_slice %arg11[%dma_wait3A_100, %dma_wait3A_101] : memref<10000x128xf32, #tpu.memory_space<vmem_shared>> -> memref<16x128xf32, #tpu.memory_space<vmem_shared>>
          tpu.wait_dma2 semaphore(%run_scoped3A : memref<!tpu.dma_semaphore, #tpu.memory_space<semaphore_mem>>) src(%dma_wait3A_102 : memref<16x128xf32, #tpu.memory_space<vmem_shared>>) dst(%dma_wait3A_99 : memref<16x128xf32, #tpu.memory_space<hbm>>)
          tpu.yield
        }) : () -> ()
      } else {
      }
      %eq3A_88 = arith.constant 0 : i32
      %eq3A_89 = arith.cmpi eq, %arg1, %eq3A_88 : i32
      %convert_element_type3A_90 = arith.extui %eq3A_89 : i1 to i32
      %cond3A_91 = arith.constant 0 : i32
      %cond3A_92 = arith.cmpi ne, %convert_element_type3A_90, %cond3A_91 : i32
      scf.if %cond3A_92 {
        "tpu.region"() ({
          %run_scoped3A = tpu.sem_alloc : memref<!tpu.dma_semaphore, #tpu.memory_space<semaphore_mem>>
          tpu.enqueue_dma source(%arg12 : memref<10000xf32, #tpu.memory_space<vmem_shared>>) target(%arg10 : memref<10000xf32, #tpu.memory_space<hbm>>) target_semaphore(%run_scoped3A : memref<!tpu.dma_semaphore, #tpu.memory_space<semaphore_mem>>)
          tpu.wait_dma2 semaphore(%run_scoped3A : memref<!tpu.dma_semaphore, #tpu.memory_space<semaphore_mem>>) src(%arg12 : memref<10000xf32, #tpu.memory_space<vmem_shared>>) dst(%arg10 : memref<10000xf32, #tpu.memory_space<hbm>>)
          tpu.yield
        }) : () -> ()
      } else {
      }
    } else {
    }
    %eq3A_74 = arith.constant 1 : i32
    %eq3A_75 = arith.cmpi eq, %arg0, %eq3A_74 : i32
    %convert_element_type3A_76 = arith.extui %eq3A_75 : i1 to i32
    %cond3A_77 = arith.constant 0 : i32
    %cond3A_78 = arith.cmpi ne, %convert_element_type3A_76, %cond3A_77 : i32
    scf.if %cond3A_78 {
      %mul3A_79 = arith.constant 624 : i32
      %mul3A_80 = arith.muli %arg1, %mul3A_79 : i32
      %mul3A_81 = arith.constant 624 : i32
      %mul3A_82 = arith.muli %arg1, %mul3A_81 : i32
      "tpu.region"() ({
        %run_scoped3A = tpu.sem_alloc : memref<!tpu.dma_semaphore, #tpu.memory_space<semaphore_mem>>
        %dma_start3A = arith.constant 0 : i32
        %dma_start3A_88 = tpu.memref_slice %arg9[%mul3A_82, %dma_start3A] : memref<10000x128xf32, #tpu.memory_space<hbm>> -> memref<624x128xf32, #tpu.memory_space<hbm>>
        %dma_start3A_89 = arith.constant 0 : i32
        %dma_start3A_90 = tpu.memref_slice %arg11[%mul3A_80, %dma_start3A_89] : memref<10000x128xf32, #tpu.memory_space<vmem_shared>> -> memref<624x128xf32, #tpu.memory_space<vmem_shared>>
        tpu.enqueue_dma source(%dma_start3A_90 : memref<624x128xf32, #tpu.memory_space<vmem_shared>>) target(%dma_start3A_88 : memref<624x128xf32, #tpu.memory_space<hbm>>) target_semaphore(%run_scoped3A : memref<!tpu.dma_semaphore, #tpu.memory_space<semaphore_mem>>)
        %dma_wait3A = arith.constant 0 : i32
        %dma_wait3A_91 = tpu.memref_slice %arg9[%mul3A_82, %dma_wait3A] : memref<10000x128xf32, #tpu.memory_space<hbm>> -> memref<624x128xf32, #tpu.memory_space<hbm>>
        %dma_wait3A_92 = arith.constant 0 : i32
        %dma_wait3A_93 = tpu.memref_slice %arg11[%mul3A_80, %dma_wait3A_92] : memref<10000x128xf32, #tpu.memory_space<vmem_shared>> -> memref<624x128xf32, #tpu.memory_space<vmem_shared>>
        tpu.wait_dma2 semaphore(%run_scoped3A : memref<!tpu.dma_semaphore, #tpu.memory_space<semaphore_mem>>) src(%dma_wait3A_93 : memref<624x128xf32, #tpu.memory_space<vmem_shared>>) dst(%dma_wait3A_91 : memref<624x128xf32, #tpu.memory_space<hbm>>)
        tpu.yield
      }) : () -> ()
      %eq3A_83 = arith.constant 0 : i32
      %eq3A_84 = arith.cmpi eq, %arg1, %eq3A_83 : i32
      %convert_element_type3A_85 = arith.extui %eq3A_84 : i1 to i32
      %cond3A_86 = arith.constant 0 : i32
      %cond3A_87 = arith.cmpi ne, %convert_element_type3A_85, %cond3A_86 : i32
      scf.if %cond3A_87 {
        "tpu.region"() ({
          %run_scoped3A = tpu.sem_alloc : memref<!tpu.dma_semaphore, #tpu.memory_space<semaphore_mem>>
          %dma_start3A = arith.constant 9984 : i32
          %dma_start3A_88 = arith.constant 0 : i32
          %dma_start3A_89 = tpu.memref_slice %arg9[%dma_start3A, %dma_start3A_88] : memref<10000x128xf32, #tpu.memory_space<hbm>> -> memref<16x128xf32, #tpu.memory_space<hbm>>
          %dma_start3A_90 = arith.constant 9984 : i32
          %dma_start3A_91 = arith.constant 0 : i32
          %dma_start3A_92 = tpu.memref_slice %arg11[%dma_start3A_90, %dma_start3A_91] : memref<10000x128xf32, #tpu.memory_space<vmem_shared>> -> memref<16x128xf32, #tpu.memory_space<vmem_shared>>
          tpu.enqueue_dma source(%dma_start3A_92 : memref<16x128xf32, #tpu.memory_space<vmem_shared>>) target(%dma_start3A_89 : memref<16x128xf32, #tpu.memory_space<hbm>>) target_semaphore(%run_scoped3A : memref<!tpu.dma_semaphore, #tpu.memory_space<semaphore_mem>>)
          %dma_wait3A = arith.constant 9984 : i32
          %dma_wait3A_93 = arith.constant 0 : i32
          %dma_wait3A_94 = tpu.memref_slice %arg9[%dma_wait3A, %dma_wait3A_93] : memref<10000x128xf32, #tpu.memory_space<hbm>> -> memref<16x128xf32, #tpu.memory_space<hbm>>
          %dma_wait3A_95 = arith.constant 9984 : i32
          %dma_wait3A_96 = arith.constant 0 : i32
          %dma_wait3A_97 = tpu.memref_slice %arg11[%dma_wait3A_95, %dma_wait3A_96] : memref<10000x128xf32, #tpu.memory_space<vmem_shared>> -> memref<16x128xf32, #tpu.memory_space<vmem_shared>>
          tpu.wait_dma2 semaphore(%run_scoped3A : memref<!tpu.dma_semaphore, #tpu.memory_space<semaphore_mem>>) src(%dma_wait3A_97 : memref<16x128xf32, #tpu.memory_space<vmem_shared>>) dst(%dma_wait3A_94 : memref<16x128xf32, #tpu.memory_space<hbm>>)
          tpu.yield
        }) : () -> ()
      } else {
      }
    } else {
    }
    return
  }
}

#map = affine_map<(d0, d1) -> (0, 0)>
#map1 = affine_map<(d0, d1) -> (0, 0, 0)>
module attributes {stable_mosaic.version = 14 : i64} {
  func.func @_spmm1_body(%arg0: i32, %arg1: i32, %arg2: memref<10000x128xf32, #tpu.memory_space<hbm>>, %arg3: memref<32x40x125xi32, #tpu.memory_space<hbm>>, %arg4: memref<32x40x125xi32, #tpu.memory_space<hbm>>, %arg5: memref<10000x128xf32, #tpu.memory_space<hbm>>, %arg6: memref<10000x128xf32, #tpu.memory_space<hbm>>, %arg7: memref<10000x128xf32, #tpu.memory_space<hbm>>, %arg8: memref<10000x128xf32, #tpu.memory_space<vmem_shared>>, %arg9: memref<40x125xi32, #tpu.memory_space<vmem>>, %arg10: memref<40x125xi32, #tpu.memory_space<vmem>>, %arg11: memref<125x128xf32, #tpu.memory_space<vmem>>, %arg12: memref<!tpu.dma_semaphore, #tpu.memory_space<semaphore_mem>>) attributes {dimension_semantics = [#tpu.dimension_semantics<core_parallel>, #tpu.dimension_semantics<subcore_parallel>], iteration_bounds = array<i64: 2, 16>, scalar_prefetch = 0 : i64, scratch_operands = 5 : i64, tpu.core_type = #tpu.core_type<sc_vector_subcore>, window_params = [{transform_indices = #map}, {transform_indices = #map1}, {transform_indices = #map1}, {transform_indices = #map}, {transform_indices = #map}, {transform_indices = #map}]} {
    %mul3A = arith.constant 16 : i32
    %mul3A_0 = arith.muli %arg0, %mul3A : i32
    %add3A = arith.addi %mul3A_0, %arg1 : i32
    %mul3A_1 = arith.constant 624 : i32
    %mul3A_2 = arith.muli %arg1, %mul3A_1 : i32
    %mul3A_3 = arith.constant 624 : i32
    %mul3A_4 = arith.muli %arg1, %mul3A_3 : i32
    "tpu.region"() ({
      %run_scoped3A = tpu.sem_alloc : memref<!tpu.dma_semaphore, #tpu.memory_space<semaphore_mem>>
      %dma_start3A = arith.constant 0 : i32
      %dma_start3A_23 = tpu.memref_slice %arg8[%mul3A_4, %dma_start3A] : memref<10000x128xf32, #tpu.memory_space<vmem_shared>> -> memref<624x128xf32, #tpu.memory_space<vmem_shared>>
      %dma_start3A_24 = arith.constant 0 : i32
      %dma_start3A_25 = tpu.memref_slice %arg5[%mul3A_2, %dma_start3A_24] : memref<10000x128xf32, #tpu.memory_space<hbm>> -> memref<624x128xf32, #tpu.memory_space<hbm>>
      tpu.enqueue_dma source(%dma_start3A_25 : memref<624x128xf32, #tpu.memory_space<hbm>>) target(%dma_start3A_23 : memref<624x128xf32, #tpu.memory_space<vmem_shared>>) target_semaphore(%run_scoped3A : memref<!tpu.dma_semaphore, #tpu.memory_space<semaphore_mem>>)
      %dma_wait3A = arith.constant 0 : i32
      %dma_wait3A_26 = tpu.memref_slice %arg8[%mul3A_4, %dma_wait3A] : memref<10000x128xf32, #tpu.memory_space<vmem_shared>> -> memref<624x128xf32, #tpu.memory_space<vmem_shared>>
      %dma_wait3A_27 = arith.constant 0 : i32
      %dma_wait3A_28 = tpu.memref_slice %arg5[%mul3A_2, %dma_wait3A_27] : memref<10000x128xf32, #tpu.memory_space<hbm>> -> memref<624x128xf32, #tpu.memory_space<hbm>>
      tpu.wait_dma2 semaphore(%run_scoped3A : memref<!tpu.dma_semaphore, #tpu.memory_space<semaphore_mem>>) src(%dma_wait3A_28 : memref<624x128xf32, #tpu.memory_space<hbm>>) dst(%dma_wait3A_26 : memref<624x128xf32, #tpu.memory_space<vmem_shared>>)
      tpu.yield
    }) : () -> ()
    %eq3A = arith.constant 0 : i32
    %eq3A_5 = arith.cmpi eq, %arg1, %eq3A : i32
    %convert_element_type3A = arith.extui %eq3A_5 : i1 to i32
    %cond3A = arith.constant 0 : i32
    %cond3A_6 = arith.cmpi ne, %convert_element_type3A, %cond3A : i32
    scf.if %cond3A_6 {
      "tpu.region"() ({
        %run_scoped3A = tpu.sem_alloc : memref<!tpu.dma_semaphore, #tpu.memory_space<semaphore_mem>>
        %dma_start3A = arith.constant 9984 : i32
        %dma_start3A_23 = arith.constant 0 : i32
        %dma_start3A_24 = tpu.memref_slice %arg8[%dma_start3A, %dma_start3A_23] : memref<10000x128xf32, #tpu.memory_space<vmem_shared>> -> memref<16x128xf32, #tpu.memory_space<vmem_shared>>
        %dma_start3A_25 = arith.constant 9984 : i32
        %dma_start3A_26 = arith.constant 0 : i32
        %dma_start3A_27 = tpu.memref_slice %arg5[%dma_start3A_25, %dma_start3A_26] : memref<10000x128xf32, #tpu.memory_space<hbm>> -> memref<16x128xf32, #tpu.memory_space<hbm>>
        tpu.enqueue_dma source(%dma_start3A_27 : memref<16x128xf32, #tpu.memory_space<hbm>>) target(%dma_start3A_24 : memref<16x128xf32, #tpu.memory_space<vmem_shared>>) target_semaphore(%run_scoped3A : memref<!tpu.dma_semaphore, #tpu.memory_space<semaphore_mem>>)
        %dma_wait3A = arith.constant 9984 : i32
        %dma_wait3A_28 = arith.constant 0 : i32
        %dma_wait3A_29 = tpu.memref_slice %arg8[%dma_wait3A, %dma_wait3A_28] : memref<10000x128xf32, #tpu.memory_space<vmem_shared>> -> memref<16x128xf32, #tpu.memory_space<vmem_shared>>
        %dma_wait3A_30 = arith.constant 9984 : i32
        %dma_wait3A_31 = arith.constant 0 : i32
        %dma_wait3A_32 = tpu.memref_slice %arg5[%dma_wait3A_30, %dma_wait3A_31] : memref<10000x128xf32, #tpu.memory_space<hbm>> -> memref<16x128xf32, #tpu.memory_space<hbm>>
        tpu.wait_dma2 semaphore(%run_scoped3A : memref<!tpu.dma_semaphore, #tpu.memory_space<semaphore_mem>>) src(%dma_wait3A_32 : memref<16x128xf32, #tpu.memory_space<hbm>>) dst(%dma_wait3A_29 : memref<16x128xf32, #tpu.memory_space<vmem_shared>>)
        tpu.yield
      }) : () -> ()
    } else {
    }
    "tpu.region"() ({
      %run_scoped3A = tpu.sem_alloc : memref<!tpu.dma_semaphore, #tpu.memory_space<semaphore_mem>>
      %dma_start3A = arith.constant 0 : i32
      %dma_start3A_23 = arith.constant 0 : i32
      %dma_start3A_24 = tpu.memref_slice %arg3[%add3A, %dma_start3A, %dma_start3A_23] : memref<32x40x125xi32, #tpu.memory_space<hbm>> -> memref<1x40x125xi32, #tpu.memory_space<hbm>>
      %dma_start3A_25 = tpu.memref_squeeze %dma_start3A_24 : memref<1x40x125xi32, #tpu.memory_space<hbm>> -> memref<40x125xi32, #tpu.memory_space<hbm>>
      %dma_start3A_26 = arith.constant 0 : i32
      %dma_start3A_27 = arith.constant 0 : i32
      %dma_start3A_28 = tpu.memref_slice %arg3[%add3A, %dma_start3A_26, %dma_start3A_27] : memref<32x40x125xi32, #tpu.memory_space<hbm>> -> memref<1x40x125xi32, #tpu.memory_space<hbm>>
      %dma_start3A_29 = tpu.memref_squeeze %dma_start3A_28 : memref<1x40x125xi32, #tpu.memory_space<hbm>> -> memref<40x125xi32, #tpu.memory_space<hbm>>
      tpu.enqueue_dma source(%dma_start3A_29 : memref<40x125xi32, #tpu.memory_space<hbm>>) target(%arg9 : memref<40x125xi32, #tpu.memory_space<vmem>>) target_semaphore(%run_scoped3A : memref<!tpu.dma_semaphore, #tpu.memory_space<semaphore_mem>>)
      %dma_wait3A = arith.constant 0 : i32
      %dma_wait3A_30 = arith.constant 0 : i32
      %dma_wait3A_31 = tpu.memref_slice %arg3[%add3A, %dma_wait3A, %dma_wait3A_30] : memref<32x40x125xi32, #tpu.memory_space<hbm>> -> memref<1x40x125xi32, #tpu.memory_space<hbm>>
      %dma_wait3A_32 = tpu.memref_squeeze %dma_wait3A_31 : memref<1x40x125xi32, #tpu.memory_space<hbm>> -> memref<40x125xi32, #tpu.memory_space<hbm>>
      %dma_wait3A_33 = arith.constant 0 : i32
      %dma_wait3A_34 = arith.constant 0 : i32
      %dma_wait3A_35 = tpu.memref_slice %arg3[%add3A, %dma_wait3A_33, %dma_wait3A_34] : memref<32x40x125xi32, #tpu.memory_space<hbm>> -> memref<1x40x125xi32, #tpu.memory_space<hbm>>
      %dma_wait3A_36 = tpu.memref_squeeze %dma_wait3A_35 : memref<1x40x125xi32, #tpu.memory_space<hbm>> -> memref<40x125xi32, #tpu.memory_space<hbm>>
      tpu.wait_dma2 semaphore(%run_scoped3A : memref<!tpu.dma_semaphore, #tpu.memory_space<semaphore_mem>>) src(%dma_wait3A_36 : memref<40x125xi32, #tpu.memory_space<hbm>>) dst(%arg9 : memref<40x125xi32, #tpu.memory_space<vmem>>)
      tpu.yield
    }) : () -> ()
    "tpu.region"() ({
      %run_scoped3A = tpu.sem_alloc : memref<!tpu.dma_semaphore, #tpu.memory_space<semaphore_mem>>
      %dma_start3A = arith.constant 0 : i32
      %dma_start3A_23 = arith.constant 0 : i32
      %dma_start3A_24 = tpu.memref_slice %arg4[%add3A, %dma_start3A, %dma_start3A_23] : memref<32x40x125xi32, #tpu.memory_space<hbm>> -> memref<1x40x125xi32, #tpu.memory_space<hbm>>
      %dma_start3A_25 = tpu.memref_squeeze %dma_start3A_24 : memref<1x40x125xi32, #tpu.memory_space<hbm>> -> memref<40x125xi32, #tpu.memory_space<hbm>>
      %dma_start3A_26 = arith.constant 0 : i32
      %dma_start3A_27 = arith.constant 0 : i32
      %dma_start3A_28 = tpu.memref_slice %arg4[%add3A, %dma_start3A_26, %dma_start3A_27] : memref<32x40x125xi32, #tpu.memory_space<hbm>> -> memref<1x40x125xi32, #tpu.memory_space<hbm>>
      %dma_start3A_29 = tpu.memref_squeeze %dma_start3A_28 : memref<1x40x125xi32, #tpu.memory_space<hbm>> -> memref<40x125xi32, #tpu.memory_space<hbm>>
      tpu.enqueue_dma source(%dma_start3A_29 : memref<40x125xi32, #tpu.memory_space<hbm>>) target(%arg10 : memref<40x125xi32, #tpu.memory_space<vmem>>) target_semaphore(%run_scoped3A : memref<!tpu.dma_semaphore, #tpu.memory_space<semaphore_mem>>)
      %dma_wait3A = arith.constant 0 : i32
      %dma_wait3A_30 = arith.constant 0 : i32
      %dma_wait3A_31 = tpu.memref_slice %arg4[%add3A, %dma_wait3A, %dma_wait3A_30] : memref<32x40x125xi32, #tpu.memory_space<hbm>> -> memref<1x40x125xi32, #tpu.memory_space<hbm>>
      %dma_wait3A_32 = tpu.memref_squeeze %dma_wait3A_31 : memref<1x40x125xi32, #tpu.memory_space<hbm>> -> memref<40x125xi32, #tpu.memory_space<hbm>>
      %dma_wait3A_33 = arith.constant 0 : i32
      %dma_wait3A_34 = arith.constant 0 : i32
      %dma_wait3A_35 = tpu.memref_slice %arg4[%add3A, %dma_wait3A_33, %dma_wait3A_34] : memref<32x40x125xi32, #tpu.memory_space<hbm>> -> memref<1x40x125xi32, #tpu.memory_space<hbm>>
      %dma_wait3A_36 = tpu.memref_squeeze %dma_wait3A_35 : memref<1x40x125xi32, #tpu.memory_space<hbm>> -> memref<40x125xi32, #tpu.memory_space<hbm>>
      tpu.wait_dma2 semaphore(%run_scoped3A : memref<!tpu.dma_semaphore, #tpu.memory_space<semaphore_mem>>) src(%dma_wait3A_36 : memref<40x125xi32, #tpu.memory_space<hbm>>) dst(%arg10 : memref<40x125xi32, #tpu.memory_space<vmem>>)
      tpu.yield
    }) : () -> ()
    %barrier3A = arith.constant 0 : index
    tpu.barrier barrier_id(%barrier3A)
    %scan3A = arith.constant 0 : i32
    %scan3A_7 = arith.constant 0 : i32
    %scan3A_8 = arith.constant 40 : i32
    %scan3A_9 = arith.addi %scan3A_7, %scan3A_8 : i32
    %scan3A_10 = arith.constant 1 : i32
    scf.for %scan3A_23 = %scan3A_7 to %scan3A_9 step %scan3A_10  : i32 {
      %dma_start3A = arith.constant 0 : i32
      %dma_start3A_24 = tpu.memref_slice %arg9[%scan3A_23, %dma_start3A] : memref<40x125xi32, #tpu.memory_space<vmem>> -> memref<1x125xi32, #tpu.memory_space<vmem>>
      %dma_start3A_25 = tpu.memref_squeeze %dma_start3A_24 : memref<1x125xi32, #tpu.memory_space<vmem>> -> memref<125xi32, #tpu.memory_space<vmem>>
      %dma_start3A_26 = arith.constant 0 : i32
      %dma_start3A_27 = arith.constant 0 : i32
      %dma_start3A_28 = tpu.memref_slice %arg2[%dma_start3A_26, %dma_start3A_27] : memref<10000x128xf32, #tpu.memory_space<hbm>> -> memref<10000x128xf32, #tpu.memory_space<hbm>>
      tpu.enqueue_indirect_dma source(%dma_start3A_28 : memref<10000x128xf32, #tpu.memory_space<hbm>>) target(%arg11 : memref<125x128xf32, #tpu.memory_space<vmem>>) offsets(%dma_start3A_25 : memref<125xi32, #tpu.memory_space<vmem>>) semaphore(%arg12 : memref<!tpu.dma_semaphore, #tpu.memory_space<semaphore_mem>>)
      %dma_wait3A = arith.constant 0 : i32
      %dma_wait3A_29 = tpu.memref_slice %arg9[%scan3A_23, %dma_wait3A] : memref<40x125xi32, #tpu.memory_space<vmem>> -> memref<1x125xi32, #tpu.memory_space<vmem>>
      %dma_wait3A_30 = tpu.memref_squeeze %dma_wait3A_29 : memref<1x125xi32, #tpu.memory_space<vmem>> -> memref<125xi32, #tpu.memory_space<vmem>>
      %dma_wait3A_31 = arith.constant 0 : i32
      %dma_wait3A_32 = arith.constant 0 : i32
      %dma_wait3A_33 = tpu.memref_slice %arg2[%dma_wait3A_31, %dma_wait3A_32] : memref<10000x128xf32, #tpu.memory_space<hbm>> -> memref<10000x128xf32, #tpu.memory_space<hbm>>
      tpu.wait_indirect_dma semaphore(%arg12 : memref<!tpu.dma_semaphore, #tpu.memory_space<semaphore_mem>>) src(%dma_wait3A_33 : memref<10000x128xf32, #tpu.memory_space<hbm>>) dst(%arg11 : memref<125x128xf32, #tpu.memory_space<vmem>>)
      "tpu.region"() ({
        %run_scoped3A = tpu.sem_alloc : memref<!tpu.dma_semaphore, #tpu.memory_space<semaphore_mem>>
        %dma_start3A_34 = arith.constant 0 : i32
        %dma_start3A_35 = tpu.memref_slice %arg10[%scan3A_23, %dma_start3A_34] : memref<40x125xi32, #tpu.memory_space<vmem>> -> memref<1x125xi32, #tpu.memory_space<vmem>>
        %dma_start3A_36 = tpu.memref_squeeze %dma_start3A_35 : memref<1x125xi32, #tpu.memory_space<vmem>> -> memref<125xi32, #tpu.memory_space<vmem>>
        %dma_start3A_37 = arith.constant 0 : i32
        %dma_start3A_38 = arith.constant 0 : i32
        %dma_start3A_39 = tpu.memref_slice %arg8[%dma_start3A_37, %dma_start3A_38] : memref<10000x128xf32, #tpu.memory_space<vmem_shared>> -> memref<10000x128xf32, #tpu.memory_space<vmem_shared>>
        tpu.enqueue_indirect_dma source(%arg11 : memref<125x128xf32, #tpu.memory_space<vmem>>) target(%dma_start3A_39 : memref<10000x128xf32, #tpu.memory_space<vmem_shared>>) offsets(%dma_start3A_36 : memref<125xi32, #tpu.memory_space<vmem>>) semaphore(%run_scoped3A : memref<!tpu.dma_semaphore, #tpu.memory_space<semaphore_mem>>) {add = true}
        %dma_wait3A_40 = arith.constant 0 : i32
        %dma_wait3A_41 = tpu.memref_slice %arg10[%scan3A_23, %dma_wait3A_40] : memref<40x125xi32, #tpu.memory_space<vmem>> -> memref<1x125xi32, #tpu.memory_space<vmem>>
        %dma_wait3A_42 = tpu.memref_squeeze %dma_wait3A_41 : memref<1x125xi32, #tpu.memory_space<vmem>> -> memref<125xi32, #tpu.memory_space<vmem>>
        %dma_wait3A_43 = arith.constant 0 : i32
        %dma_wait3A_44 = arith.constant 0 : i32
        %dma_wait3A_45 = tpu.memref_slice %arg8[%dma_wait3A_43, %dma_wait3A_44] : memref<10000x128xf32, #tpu.memory_space<vmem_shared>> -> memref<10000x128xf32, #tpu.memory_space<vmem_shared>>
        tpu.wait_indirect_dma semaphore(%run_scoped3A : memref<!tpu.dma_semaphore, #tpu.memory_space<semaphore_mem>>) src(%arg11 : memref<125x128xf32, #tpu.memory_space<vmem>>) dst(%dma_wait3A_45 : memref<10000x128xf32, #tpu.memory_space<vmem_shared>>)
        tpu.yield
      }) : () -> ()
    }
    %scan3A_11 = arith.constant 40 : i32
    %barrier3A_12 = arith.constant 0 : index
    tpu.barrier barrier_id(%barrier3A_12)
    %eq3A_13 = arith.constant 0 : i32
    %eq3A_14 = arith.cmpi eq, %arg0, %eq3A_13 : i32
    %convert_element_type3A_15 = arith.extui %eq3A_14 : i1 to i32
    %cond3A_16 = arith.constant 0 : i32
    %cond3A_17 = arith.cmpi ne, %convert_element_type3A_15, %cond3A_16 : i32
    scf.if %cond3A_17 {
      %mul3A_23 = arith.constant 624 : i32
      %mul3A_24 = arith.muli %arg1, %mul3A_23 : i32
      %mul3A_25 = arith.constant 624 : i32
      %mul3A_26 = arith.muli %arg1, %mul3A_25 : i32
      "tpu.region"() ({
        %run_scoped3A = tpu.sem_alloc : memref<!tpu.dma_semaphore, #tpu.memory_space<semaphore_mem>>
        %dma_start3A = arith.constant 0 : i32
        %dma_start3A_32 = tpu.memref_slice %arg6[%mul3A_26, %dma_start3A] : memref<10000x128xf32, #tpu.memory_space<hbm>> -> memref<624x128xf32, #tpu.memory_space<hbm>>
        %dma_start3A_33 = arith.constant 0 : i32
        %dma_start3A_34 = tpu.memref_slice %arg8[%mul3A_24, %dma_start3A_33] : memref<10000x128xf32, #tpu.memory_space<vmem_shared>> -> memref<624x128xf32, #tpu.memory_space<vmem_shared>>
        tpu.enqueue_dma source(%dma_start3A_34 : memref<624x128xf32, #tpu.memory_space<vmem_shared>>) target(%dma_start3A_32 : memref<624x128xf32, #tpu.memory_space<hbm>>) target_semaphore(%run_scoped3A : memref<!tpu.dma_semaphore, #tpu.memory_space<semaphore_mem>>)
        %dma_wait3A = arith.constant 0 : i32
        %dma_wait3A_35 = tpu.memref_slice %arg6[%mul3A_26, %dma_wait3A] : memref<10000x128xf32, #tpu.memory_space<hbm>> -> memref<624x128xf32, #tpu.memory_space<hbm>>
        %dma_wait3A_36 = arith.constant 0 : i32
        %dma_wait3A_37 = tpu.memref_slice %arg8[%mul3A_24, %dma_wait3A_36] : memref<10000x128xf32, #tpu.memory_space<vmem_shared>> -> memref<624x128xf32, #tpu.memory_space<vmem_shared>>
        tpu.wait_dma2 semaphore(%run_scoped3A : memref<!tpu.dma_semaphore, #tpu.memory_space<semaphore_mem>>) src(%dma_wait3A_37 : memref<624x128xf32, #tpu.memory_space<vmem_shared>>) dst(%dma_wait3A_35 : memref<624x128xf32, #tpu.memory_space<hbm>>)
        tpu.yield
      }) : () -> ()
      %eq3A_27 = arith.constant 0 : i32
      %eq3A_28 = arith.cmpi eq, %arg1, %eq3A_27 : i32
      %convert_element_type3A_29 = arith.extui %eq3A_28 : i1 to i32
      %cond3A_30 = arith.constant 0 : i32
      %cond3A_31 = arith.cmpi ne, %convert_element_type3A_29, %cond3A_30 : i32
      scf.if %cond3A_31 {
        "tpu.region"() ({
          %run_scoped3A = tpu.sem_alloc : memref<!tpu.dma_semaphore, #tpu.memory_space<semaphore_mem>>
          %dma_start3A = arith.constant 9984 : i32
          %dma_start3A_32 = arith.constant 0 : i32
          %dma_start3A_33 = tpu.memref_slice %arg6[%dma_start3A, %dma_start3A_32] : memref<10000x128xf32, #tpu.memory_space<hbm>> -> memref<16x128xf32, #tpu.memory_space<hbm>>
          %dma_start3A_34 = arith.constant 9984 : i32
          %dma_start3A_35 = arith.constant 0 : i32
          %dma_start3A_36 = tpu.memref_slice %arg8[%dma_start3A_34, %dma_start3A_35] : memref<10000x128xf32, #tpu.memory_space<vmem_shared>> -> memref<16x128xf32, #tpu.memory_space<vmem_shared>>
          tpu.enqueue_dma source(%dma_start3A_36 : memref<16x128xf32, #tpu.memory_space<vmem_shared>>) target(%dma_start3A_33 : memref<16x128xf32, #tpu.memory_space<hbm>>) target_semaphore(%run_scoped3A : memref<!tpu.dma_semaphore, #tpu.memory_space<semaphore_mem>>)
          %dma_wait3A = arith.constant 9984 : i32
          %dma_wait3A_37 = arith.constant 0 : i32
          %dma_wait3A_38 = tpu.memref_slice %arg6[%dma_wait3A, %dma_wait3A_37] : memref<10000x128xf32, #tpu.memory_space<hbm>> -> memref<16x128xf32, #tpu.memory_space<hbm>>
          %dma_wait3A_39 = arith.constant 9984 : i32
          %dma_wait3A_40 = arith.constant 0 : i32
          %dma_wait3A_41 = tpu.memref_slice %arg8[%dma_wait3A_39, %dma_wait3A_40] : memref<10000x128xf32, #tpu.memory_space<vmem_shared>> -> memref<16x128xf32, #tpu.memory_space<vmem_shared>>
          tpu.wait_dma2 semaphore(%run_scoped3A : memref<!tpu.dma_semaphore, #tpu.memory_space<semaphore_mem>>) src(%dma_wait3A_41 : memref<16x128xf32, #tpu.memory_space<vmem_shared>>) dst(%dma_wait3A_38 : memref<16x128xf32, #tpu.memory_space<hbm>>)
          tpu.yield
        }) : () -> ()
      } else {
      }
    } else {
    }
    %eq3A_18 = arith.constant 1 : i32
    %eq3A_19 = arith.cmpi eq, %arg0, %eq3A_18 : i32
    %convert_element_type3A_20 = arith.extui %eq3A_19 : i1 to i32
    %cond3A_21 = arith.constant 0 : i32
    %cond3A_22 = arith.cmpi ne, %convert_element_type3A_20, %cond3A_21 : i32
    scf.if %cond3A_22 {
      %mul3A_23 = arith.constant 624 : i32
      %mul3A_24 = arith.muli %arg1, %mul3A_23 : i32
      %mul3A_25 = arith.constant 624 : i32
      %mul3A_26 = arith.muli %arg1, %mul3A_25 : i32
      "tpu.region"() ({
        %run_scoped3A = tpu.sem_alloc : memref<!tpu.dma_semaphore, #tpu.memory_space<semaphore_mem>>
        %dma_start3A = arith.constant 0 : i32
        %dma_start3A_32 = tpu.memref_slice %arg7[%mul3A_26, %dma_start3A] : memref<10000x128xf32, #tpu.memory_space<hbm>> -> memref<624x128xf32, #tpu.memory_space<hbm>>
        %dma_start3A_33 = arith.constant 0 : i32
        %dma_start3A_34 = tpu.memref_slice %arg8[%mul3A_24, %dma_start3A_33] : memref<10000x128xf32, #tpu.memory_space<vmem_shared>> -> memref<624x128xf32, #tpu.memory_space<vmem_shared>>
        tpu.enqueue_dma source(%dma_start3A_34 : memref<624x128xf32, #tpu.memory_space<vmem_shared>>) target(%dma_start3A_32 : memref<624x128xf32, #tpu.memory_space<hbm>>) target_semaphore(%run_scoped3A : memref<!tpu.dma_semaphore, #tpu.memory_space<semaphore_mem>>)
        %dma_wait3A = arith.constant 0 : i32
        %dma_wait3A_35 = tpu.memref_slice %arg7[%mul3A_26, %dma_wait3A] : memref<10000x128xf32, #tpu.memory_space<hbm>> -> memref<624x128xf32, #tpu.memory_space<hbm>>
        %dma_wait3A_36 = arith.constant 0 : i32
        %dma_wait3A_37 = tpu.memref_slice %arg8[%mul3A_24, %dma_wait3A_36] : memref<10000x128xf32, #tpu.memory_space<vmem_shared>> -> memref<624x128xf32, #tpu.memory_space<vmem_shared>>
        tpu.wait_dma2 semaphore(%run_scoped3A : memref<!tpu.dma_semaphore, #tpu.memory_space<semaphore_mem>>) src(%dma_wait3A_37 : memref<624x128xf32, #tpu.memory_space<vmem_shared>>) dst(%dma_wait3A_35 : memref<624x128xf32, #tpu.memory_space<hbm>>)
        tpu.yield
      }) : () -> ()
      %eq3A_27 = arith.constant 0 : i32
      %eq3A_28 = arith.cmpi eq, %arg1, %eq3A_27 : i32
      %convert_element_type3A_29 = arith.extui %eq3A_28 : i1 to i32
      %cond3A_30 = arith.constant 0 : i32
      %cond3A_31 = arith.cmpi ne, %convert_element_type3A_29, %cond3A_30 : i32
      scf.if %cond3A_31 {
        "tpu.region"() ({
          %run_scoped3A = tpu.sem_alloc : memref<!tpu.dma_semaphore, #tpu.memory_space<semaphore_mem>>
          %dma_start3A = arith.constant 9984 : i32
          %dma_start3A_32 = arith.constant 0 : i32
          %dma_start3A_33 = tpu.memref_slice %arg7[%dma_start3A, %dma_start3A_32] : memref<10000x128xf32, #tpu.memory_space<hbm>> -> memref<16x128xf32, #tpu.memory_space<hbm>>
          %dma_start3A_34 = arith.constant 9984 : i32
          %dma_start3A_35 = arith.constant 0 : i32
          %dma_start3A_36 = tpu.memref_slice %arg8[%dma_start3A_34, %dma_start3A_35] : memref<10000x128xf32, #tpu.memory_space<vmem_shared>> -> memref<16x128xf32, #tpu.memory_space<vmem_shared>>
          tpu.enqueue_dma source(%dma_start3A_36 : memref<16x128xf32, #tpu.memory_space<vmem_shared>>) target(%dma_start3A_33 : memref<16x128xf32, #tpu.memory_space<hbm>>) target_semaphore(%run_scoped3A : memref<!tpu.dma_semaphore, #tpu.memory_space<semaphore_mem>>)
          %dma_wait3A = arith.constant 9984 : i32
          %dma_wait3A_37 = arith.constant 0 : i32
          %dma_wait3A_38 = tpu.memref_slice %arg7[%dma_wait3A, %dma_wait3A_37] : memref<10000x128xf32, #tpu.memory_space<hbm>> -> memref<16x128xf32, #tpu.memory_space<hbm>>
          %dma_wait3A_39 = arith.constant 9984 : i32
          %dma_wait3A_40 = arith.constant 0 : i32
          %dma_wait3A_41 = tpu.memref_slice %arg8[%dma_wait3A_39, %dma_wait3A_40] : memref<10000x128xf32, #tpu.memory_space<vmem_shared>> -> memref<16x128xf32, #tpu.memory_space<vmem_shared>>
          tpu.wait_dma2 semaphore(%run_scoped3A : memref<!tpu.dma_semaphore, #tpu.memory_space<semaphore_mem>>) src(%dma_wait3A_41 : memref<16x128xf32, #tpu.memory_space<vmem_shared>>) dst(%dma_wait3A_38 : memref<16x128xf32, #tpu.memory_space<hbm>>)
          tpu.yield
        }) : () -> ()
      } else {
      }
    } else {
    }
    return
  }
}

module attributes {stable_mosaic.version = 14 : i64} {
  func.func @_dense0_body(%arg0: i32, %arg1: memref<1000x128xf32, #tpu.memory_space<vmem>>, %arg2: memref<1000x128xf32, #tpu.memory_space<vmem>>, %arg3: memref<1000x1xf32, #tpu.memory_space<vmem>>, %arg4: memref<1000x256xf32, #tpu.memory_space<vmem>>, %arg5: memref<256x256xf32, #tpu.memory_space<vmem>>, %arg6: memref<1x256xf32, #tpu.memory_space<vmem>>, %arg7: memref<256x256xf32, #tpu.memory_space<vmem>>, %arg8: memref<256x64xf32, #tpu.memory_space<vmem>>, %arg9: memref<1000x256xf32, #tpu.memory_space<vmem>>, %arg10: memref<1000x128xf32, #tpu.memory_space<vmem>>) attributes {dimension_semantics = [#tpu.dimension_semantics<arbitrary>], iteration_bounds = array<i64: 10>, scalar_prefetch = 0 : i64, scratch_operands = 0 : i64, tpu.core_type = #tpu.core_type<tc>, window_params = [{transform_indices = @transform_0, window_bounds = array<i64: 1000, 128>}, {transform_indices = @transform_1, window_bounds = array<i64: 1000, 128>}, {transform_indices = @transform_2, window_bounds = array<i64: 1000, 1>}, {transform_indices = @transform_3, window_bounds = array<i64: 1000, 256>}, {pipeline_mode = #tpu.pipeline_mode<synchronous>, transform_indices = @transform_4, window_bounds = array<i64: 256, 256>}, {pipeline_mode = #tpu.pipeline_mode<synchronous>, transform_indices = @transform_5, window_bounds = array<i64: 1, 256>}, {pipeline_mode = #tpu.pipeline_mode<synchronous>, transform_indices = @transform_6, window_bounds = array<i64: 256, 256>}, {pipeline_mode = #tpu.pipeline_mode<synchronous>, transform_indices = @transform_7, window_bounds = array<i64: 256, 64>}, {transform_indices = @transform_8, window_bounds = array<i64: 1000, 256>}, {transform_indices = @transform_9, window_bounds = array<i64: 1000, 128>}]} {
    %get3A = arith.constant 0 : index
    %get3A_0 = arith.constant 0 : index
    %get3A_1 = vector.load %arg3[%get3A, %get3A_0] : memref<1000x1xf32, #tpu.memory_space<vmem>>, vector<1000x1xf32>
    %max3A = arith.constant 1.000000e+00 : f32
    %max3A_2 = vector.broadcast %max3A : f32 to vector<1000x1xf32>
    %max3A_3 = arith.maximumf %get3A_1, %max3A_2 : vector<1000x1xf32>
    %get3A_4 = arith.constant 0 : index
    %get3A_5 = arith.constant 0 : index
    %get3A_6 = vector.load %arg5[%get3A_4, %get3A_5] : memref<256x256xf32, #tpu.memory_space<vmem>>, vector<256x256xf32>
    %get3A_7 = arith.constant 0 : index
    %get3A_8 = arith.constant 0 : index
    %get3A_9 = vector.load %arg1[%get3A_7, %get3A_8] : memref<1000x128xf32, #tpu.memory_space<vmem>>, vector<1000x128xf32>
    %div3A = vector.broadcast %max3A_3 : vector<1000x1xf32> to vector<1000x128xf32>
    %div3A_10 = arith.divf %get3A_9, %div3A : vector<1000x128xf32>
    %slice3A = vector.extract_strided_slice %get3A_6 {offsets = [0, 0], sizes = [128, 256], strides = [1, 1]} : vector<256x256xf32> to vector<128x256xf32>
    %dot_general3A = arith.constant dense<0.000000e+00> : vector<1000x256xf32>
    %dot_general3A_11 = tpu.matmul %div3A_10, %slice3A, %dot_general3A {dimension_numbers = #tpu.dot_dimension_numbers<[1], [0], [0], [1], [0, 0, 1, 1], [], []>, transpose_lhs_hint = false} : vector<1000x128xf32>, vector<128x256xf32>, vector<1000x256xf32> -> vector<1000x256xf32>
    %get3A_12 = arith.constant 0 : index
    %get3A_13 = arith.constant 0 : index
    %get3A_14 = vector.load %arg2[%get3A_12, %get3A_13] : memref<1000x128xf32, #tpu.memory_space<vmem>>, vector<1000x128xf32>
    %div3A_15 = vector.broadcast %max3A_3 : vector<1000x1xf32> to vector<1000x128xf32>
    %div3A_16 = arith.divf %get3A_14, %div3A_15 : vector<1000x128xf32>
    %slice3A_17 = vector.extract_strided_slice %get3A_6 {offsets = [128, 0], sizes = [128, 256], strides = [1, 1]} : vector<256x256xf32> to vector<128x256xf32>
    %dot_general3A_18 = arith.constant dense<0.000000e+00> : vector<1000x256xf32>
    %dot_general3A_19 = tpu.matmul %div3A_16, %slice3A_17, %dot_general3A_18 {dimension_numbers = #tpu.dot_dimension_numbers<[1], [0], [0], [1], [0, 0, 1, 1], [], []>, transpose_lhs_hint = false} : vector<1000x128xf32>, vector<128x256xf32>, vector<1000x256xf32> -> vector<1000x256xf32>
    %add3A = arith.addf %dot_general3A_11, %dot_general3A_19 : vector<1000x256xf32>
    %get3A_20 = arith.constant 0 : index
    %get3A_21 = arith.constant 0 : index
    %get3A_22 = vector.load %arg4[%get3A_20, %get3A_21] : memref<1000x256xf32, #tpu.memory_space<vmem>>, vector<1000x256xf32>
    %get3A_23 = arith.constant 0 : index
    %get3A_24 = arith.constant 0 : index
    %get3A_25 = vector.load %arg7[%get3A_23, %get3A_24] : memref<256x256xf32, #tpu.memory_space<vmem>>, vector<256x256xf32>
    %dot_general3A_26 = arith.constant dense<0.000000e+00> : vector<1000x256xf32>
    %dot_general3A_27 = tpu.matmul %get3A_22, %get3A_25, %dot_general3A_26 {dimension_numbers = #tpu.dot_dimension_numbers<[1], [0], [0], [1], [0, 0, 1, 1], [], []>, transpose_lhs_hint = false} : vector<1000x256xf32>, vector<256x256xf32>, vector<1000x256xf32> -> vector<1000x256xf32>
    %add3A_28 = arith.addf %add3A, %dot_general3A_27 : vector<1000x256xf32>
    %get3A_29 = arith.constant 0 : index
    %get3A_30 = arith.constant 0 : index
    %get3A_31 = vector.load %arg6[%get3A_29, %get3A_30] : memref<1x256xf32, #tpu.memory_space<vmem>>, vector<1x256xf32>
    %add3A_32 = vector.broadcast %get3A_31 : vector<1x256xf32> to vector<1000x256xf32>
    %add3A_33 = arith.addf %add3A_28, %add3A_32 : vector<1000x256xf32>
    %max3A_34 = arith.constant 0.000000e+00 : f32
    %max3A_35 = vector.broadcast %max3A_34 : f32 to vector<1000x256xf32>
    %max3A_36 = arith.maximumf %add3A_33, %max3A_35 : vector<1000x256xf32>
    %swap3A = arith.constant 0 : index
    %swap3A_37 = arith.constant 0 : index
    %swap3A_38 = vector.load %arg9[%swap3A, %swap3A_37] : memref<1000x256xf32, #tpu.memory_space<vmem>>, vector<1000x256xf32>
    tpu.vector_store %arg9[%swap3A, %swap3A_37], %max3A_36 {strides = array<i32>} : memref<1000x256xf32, #tpu.memory_space<vmem>>, vector<1000x256xf32>,
    %get3A_39 = arith.constant 0 : index
    %get3A_40 = arith.constant 0 : index
    %get3A_41 = vector.load %arg8[%get3A_39, %get3A_40] : memref<256x64xf32, #tpu.memory_space<vmem>>, vector<256x64xf32>
    %dot_general3A_42 = arith.constant dense<0.000000e+00> : vector<1000x64xf32>
    %dot_general3A_43 = tpu.matmul %max3A_36, %get3A_41, %dot_general3A_42 {dimension_numbers = #tpu.dot_dimension_numbers<[1], [0], [0], [1], [0, 0, 1, 1], [], []>, transpose_lhs_hint = false} : vector<1000x256xf32>, vector<256x64xf32>, vector<1000x64xf32> -> vector<1000x64xf32>
    %broadcast_in_dim3A = arith.constant 0.000000e+00 : f32
    %broadcast_in_dim3A_44 = vector.broadcast %broadcast_in_dim3A : f32 to vector<1000x64xf32>
    %concatenate3A = tpu.concatenate %dot_general3A_43, %broadcast_in_dim3A_44 in 1 : vector<1000x64xf32>, vector<1000x64xf32> -> vector<1000x128xf32>
    %swap3A_45 = arith.constant 0 : index
    %swap3A_46 = arith.constant 0 : index
    %swap3A_47 = vector.load %arg10[%swap3A_45, %swap3A_46] : memref<1000x128xf32, #tpu.memory_space<vmem>>, vector<1000x128xf32>
    tpu.vector_store %arg10[%swap3A_45, %swap3A_46], %concatenate3A {strides = array<i32>} : memref<1000x128xf32, #tpu.memory_space<vmem>>, vector<1000x128xf32>,
    return
  }
  func.func @transform_0(%arg0: i32) -> (i32, i32) {
    %c0_i32 = arith.constant 0 : i32
    %c0_i32_0 = arith.constant 0 : i32
    return %arg0, %c0_i32 : i32, i32
  }
  func.func @transform_1(%arg0: i32) -> (i32, i32) {
    %c0_i32 = arith.constant 0 : i32
    %c0_i32_0 = arith.constant 0 : i32
    return %arg0, %c0_i32 : i32, i32
  }
  func.func @transform_2(%arg0: i32) -> (i32, i32) {
    %c0_i32 = arith.constant 0 : i32
    %c0_i32_0 = arith.constant 0 : i32
    return %arg0, %c0_i32 : i32, i32
  }
  func.func @transform_3(%arg0: i32) -> (i32, i32) {
    %c0_i32 = arith.constant 0 : i32
    %c0_i32_0 = arith.constant 0 : i32
    return %arg0, %c0_i32 : i32, i32
  }
  func.func @transform_4(%arg0: i32) -> (i32, i32) {
    %c0_i32 = arith.constant 0 : i32
    %c0_i32_0 = arith.constant 0 : i32
    %c0_i32_1 = arith.constant 0 : i32
    return %c0_i32, %c0_i32_0 : i32, i32
  }
  func.func @transform_5(%arg0: i32) -> (i32, i32) {
    %c0_i32 = arith.constant 0 : i32
    %c0_i32_0 = arith.constant 0 : i32
    %c0_i32_1 = arith.constant 0 : i32
    return %c0_i32, %c0_i32_0 : i32, i32
  }
  func.func @transform_6(%arg0: i32) -> (i32, i32) {
    %c0_i32 = arith.constant 0 : i32
    %c0_i32_0 = arith.constant 0 : i32
    %c0_i32_1 = arith.constant 0 : i32
    return %c0_i32, %c0_i32_0 : i32, i32
  }
  func.func @transform_7(%arg0: i32) -> (i32, i32) {
    %c0_i32 = arith.constant 0 : i32
    %c0_i32_0 = arith.constant 0 : i32
    %c0_i32_1 = arith.constant 0 : i32
    return %c0_i32, %c0_i32_0 : i32, i32
  }
  func.func @transform_8(%arg0: i32) -> (i32, i32) {
    %c0_i32 = arith.constant 0 : i32
    %c0_i32_0 = arith.constant 0 : i32
    return %arg0, %c0_i32 : i32, i32
  }
  func.func @transform_9(%arg0: i32) -> (i32, i32) {
    %c0_i32 = arith.constant 0 : i32
    %c0_i32_0 = arith.constant 0 : i32
    return %arg0, %c0_i32 : i32, i32
  }
}

module attributes {stable_mosaic.version = 14 : i64} {
  func.func @_dense1_body(%arg0: i32, %arg1: memref<1000x128xf32, #tpu.memory_space<vmem>>, %arg2: memref<1000x128xf32, #tpu.memory_space<vmem>>, %arg3: memref<1000x1xf32, #tpu.memory_space<vmem>>, %arg4: memref<1000x256xf32, #tpu.memory_space<vmem>>, %arg5: memref<256x64xf32, #tpu.memory_space<vmem>>, %arg6: memref<1x64xf32, #tpu.memory_space<vmem>>, %arg7: memref<1000x64xf32, #tpu.memory_space<vmem>>) attributes {dimension_semantics = [#tpu.dimension_semantics<arbitrary>], iteration_bounds = array<i64: 10>, scalar_prefetch = 0 : i64, scratch_operands = 0 : i64, tpu.core_type = #tpu.core_type<tc>, window_params = [{transform_indices = @transform_0, window_bounds = array<i64: 1000, 128>}, {transform_indices = @transform_1, window_bounds = array<i64: 1000, 128>}, {transform_indices = @transform_2, window_bounds = array<i64: 1000, 1>}, {transform_indices = @transform_3, window_bounds = array<i64: 1000, 256>}, {pipeline_mode = #tpu.pipeline_mode<synchronous>, transform_indices = @transform_4, window_bounds = array<i64: 256, 64>}, {pipeline_mode = #tpu.pipeline_mode<synchronous>, transform_indices = @transform_5, window_bounds = array<i64: 1, 64>}, {transform_indices = @transform_6, window_bounds = array<i64: 1000, 64>}]} {
    %get3A = arith.constant 0 : index
    %get3A_0 = arith.constant 0 : index
    %get3A_1 = vector.load %arg3[%get3A, %get3A_0] : memref<1000x1xf32, #tpu.memory_space<vmem>>, vector<1000x1xf32>
    %max3A = arith.constant 1.000000e+00 : f32
    %max3A_2 = vector.broadcast %max3A : f32 to vector<1000x1xf32>
    %max3A_3 = arith.maximumf %get3A_1, %max3A_2 : vector<1000x1xf32>
    %get3A_4 = arith.constant 0 : index
    %get3A_5 = arith.constant 0 : index
    %get3A_6 = vector.load %arg1[%get3A_4, %get3A_5] : memref<1000x128xf32, #tpu.memory_space<vmem>>, vector<1000x128xf32>
    %slice3A = vector.extract_strided_slice %get3A_6 {offsets = [0, 0], sizes = [1000, 64], strides = [1, 1]} : vector<1000x128xf32> to vector<1000x64xf32>
    %get3A_7 = arith.constant 0 : index
    %get3A_8 = arith.constant 0 : index
    %get3A_9 = vector.load %arg2[%get3A_7, %get3A_8] : memref<1000x128xf32, #tpu.memory_space<vmem>>, vector<1000x128xf32>
    %slice3A_10 = vector.extract_strided_slice %get3A_9 {offsets = [0, 0], sizes = [1000, 64], strides = [1, 1]} : vector<1000x128xf32> to vector<1000x64xf32>
    %add3A = arith.addf %slice3A, %slice3A_10 : vector<1000x64xf32>
    %div3A = vector.broadcast %max3A_3 : vector<1000x1xf32> to vector<1000x64xf32>
    %div3A_11 = arith.divf %add3A, %div3A : vector<1000x64xf32>
    %get3A_12 = arith.constant 0 : index
    %get3A_13 = arith.constant 0 : index
    %get3A_14 = vector.load %arg4[%get3A_12, %get3A_13] : memref<1000x256xf32, #tpu.memory_space<vmem>>, vector<1000x256xf32>
    %get3A_15 = arith.constant 0 : index
    %get3A_16 = arith.constant 0 : index
    %get3A_17 = vector.load %arg5[%get3A_15, %get3A_16] : memref<256x64xf32, #tpu.memory_space<vmem>>, vector<256x64xf32>
    %dot_general3A = arith.constant dense<0.000000e+00> : vector<1000x64xf32>
    %dot_general3A_18 = tpu.matmul %get3A_14, %get3A_17, %dot_general3A {dimension_numbers = #tpu.dot_dimension_numbers<[1], [0], [0], [1], [0, 0, 1, 1], [], []>, transpose_lhs_hint = false} : vector<1000x256xf32>, vector<256x64xf32>, vector<1000x64xf32> -> vector<1000x64xf32>
    %add3A_19 = arith.addf %div3A_11, %dot_general3A_18 : vector<1000x64xf32>
    %get3A_20 = arith.constant 0 : index
    %get3A_21 = arith.constant 0 : index
    %get3A_22 = vector.load %arg6[%get3A_20, %get3A_21] : memref<1x64xf32, #tpu.memory_space<vmem>>, vector<1x64xf32>
    %add3A_23 = vector.broadcast %get3A_22 : vector<1x64xf32> to vector<1000x64xf32>
    %add3A_24 = arith.addf %add3A_19, %add3A_23 : vector<1000x64xf32>
    %reduce_max3A = arith.constant dense<0xFF800000> : vector<1000xf32>
    %reduce_max3A_25 = vector.multi_reduction <maximumf>, %add3A_24, %reduce_max3A [1] : vector<1000x64xf32> to vector<1000xf32>
    %broadcast_in_dim3A = vector.shape_cast %reduce_max3A_25 : vector<1000xf32> to vector<1000x1xf32>
    %sub3A = vector.broadcast %broadcast_in_dim3A : vector<1000x1xf32> to vector<1000x64xf32>
    %sub3A_26 = arith.subf %add3A_24, %sub3A : vector<1000x64xf32>
    %exp3A = math.exp %sub3A_26 : vector<1000x64xf32>
    %reduce_sum3A = arith.constant dense<0.000000e+00> : vector<1000xf32>
    %reduce_sum3A_27 = vector.multi_reduction <add>, %exp3A, %reduce_sum3A [1] : vector<1000x64xf32> to vector<1000xf32>
    %broadcast_in_dim3A_28 = vector.shape_cast %reduce_sum3A_27 : vector<1000xf32> to vector<1000x1xf32>
    %log3A = math.log %broadcast_in_dim3A_28 : vector<1000x1xf32>
    %add3A_29 = arith.addf %log3A, %broadcast_in_dim3A : vector<1000x1xf32>
    %sub3A_30 = vector.broadcast %add3A_29 : vector<1000x1xf32> to vector<1000x64xf32>
    %sub3A_31 = arith.subf %add3A_24, %sub3A_30 : vector<1000x64xf32>
    %swap3A = arith.constant 0 : index
    %swap3A_32 = arith.constant 0 : index
    %swap3A_33 = vector.load %arg7[%swap3A, %swap3A_32] : memref<1000x64xf32, #tpu.memory_space<vmem>>, vector<1000x64xf32>
    tpu.vector_store %arg7[%swap3A, %swap3A_32], %sub3A_31 {strides = array<i32>} : memref<1000x64xf32, #tpu.memory_space<vmem>>, vector<1000x64xf32>,
    return
  }
  func.func @transform_0(%arg0: i32) -> (i32, i32) {
    %c0_i32 = arith.constant 0 : i32
    %c0_i32_0 = arith.constant 0 : i32
    return %arg0, %c0_i32 : i32, i32
  }
  func.func @transform_1(%arg0: i32) -> (i32, i32) {
    %c0_i32 = arith.constant 0 : i32
    %c0_i32_0 = arith.constant 0 : i32
    return %arg0, %c0_i32 : i32, i32
  }
  func.func @transform_2(%arg0: i32) -> (i32, i32) {
    %c0_i32 = arith.constant 0 : i32
    %c0_i32_0 = arith.constant 0 : i32
    return %arg0, %c0_i32 : i32, i32
  }
  func.func @transform_3(%arg0: i32) -> (i32, i32) {
    %c0_i32 = arith.constant 0 : i32
    %c0_i32_0 = arith.constant 0 : i32
    return %arg0, %c0_i32 : i32, i32
  }
  func.func @transform_4(%arg0: i32) -> (i32, i32) {
    %c0_i32 = arith.constant 0 : i32
    %c0_i32_0 = arith.constant 0 : i32
    %c0_i32_1 = arith.constant 0 : i32
    return %c0_i32, %c0_i32_0 : i32, i32
  }
  func.func @transform_5(%arg0: i32) -> (i32, i32) {
    %c0_i32 = arith.constant 0 : i32
    %c0_i32_0 = arith.constant 0 : i32
    %c0_i32_1 = arith.constant 0 : i32
    return %c0_i32, %c0_i32_0 : i32, i32
  }
  func.func @transform_6(%arg0: i32) -> (i32, i32) {
    %c0_i32 = arith.constant 0 : i32
    %c0_i32_0 = arith.constant 0 : i32
    return %arg0, %c0_i32 : i32, i32
  }
}

</mosaic_0001>

<sc_bundles>
// kernel: kernel.6.cloned.1.call-start
scs
__scs_entry_jumppad:
0x0: {  	(pc) =	sbr.rel $0x88, $3  }
0x1: {  	(tag) =	ssettag $0x0;
	lr =	simm.s32 $0x1  }
0x2: {  	[smem:$0x3F99] =	sst lr;
	_ =	strace $0xD0000000  }
0x3: {  	_ = 	snop  }
0x4: {  	_ = 	snop  }
0x5: {  	_ = 	snop  }
0x6: {  	_ = 	snop  }
0x7: {  	_ = 	snop  }
__scs_overlays_trampoline_lowered:
0x8: {  	[smem:$0x3FA8] =	sst s0  }
0x9: {  	[smem:$0x3FA9] =	sst s1  }
0xa: {  	[smem:$0x3FAA] =	sst s2  }
0xb: {  	[smem:$0x3FAB] =	sst s3  }
0xc: {  	[smem:$0x3FAC] =	sst s4  }
0xd: {  	[smem:$0x3FAD] =	sst s5  }
0xe: {  	[smem:$0x3FAE] =	sst s6  }
0xf: {  	[smem:$0x3FAF] =	sst s7  }
0x10: {  	[smem:$0x3FB0] =	sst s8  }
0x11: {  	[smem:$0x3FB1] =	sst s9;
	s0 =	simm.s32 @!p0 $0x0  }
0x12: {  	s1 =	sld [smem:$0x3F97];
	s0 =	simm.s32 @p0 $0x1  }
0x13: {  	[smem:$0x3FB2] =	sst s0;
	s0 =	simm.s32 @!p1 $0x0  }
0x14: {  	s2 =	sld [smem:$0x3F96];
	s0 =	simm.s32 @p1 $0x1  }
0x15: {  	[smem:$0x3FB3] =	sst s0;
	s0 =	simm.s32 @!p2 $0x0  }
0x16: {  	s3 =	sld [smem:$0x3FDB];
	s0 =	simm.s32 @p2 $0x1  }
0x17: {  	s4 =	simm.s32 $0x1BF5;
	[smem:$0x3FB5] =	sst s0  }
0x18: {  	s0 =	sld [smem:$0x3F98];
	_ =	swait.ge [sflag:s4], $0x0  }
0x19: {  	s7 =	sld [smem:$0x3F99]  }
0x1a: {  	s8 =	sadd.s32 $0xFFFFE003, lr  }
0x1b: {  	s9 =	sadd.s32 $0xFFFFFEF7, lr;
	s5 =	simm.s32 $0xFFFFFFFF;
	p2 =	slt.u32 s8, $0xFFFFF086  }
0x1c: {  	p1 =	slt.u32 s9, $0xF7A;
	s5 =	simm.s32 @!p2 $0x0  }
0x1d: {  	s5 =	simm.s32 @p1 $0x1;
	p0 =	seq.s32 s7, s2  }
0x1e: {  	s7 =	smul.u32 @!p0 $0xF7A, s2;
	p2 =	seq.s32 @!p0 s5, $0x0  }
0x1f: {  	s9 =	smul.u32 $0xF7A, s1;
	s8 =	simm.s32 @!p0 $0x1BF5;
	p2 =	por !p2, p0  }
0x20: {  	[sflag:s8] =	ssyncset.s32 @!p0 $0xFFFFF086;
	s6 =	sadd.s32 @!p0 s3, s7;
	s7 =	simm.s32 @!p0 $0x108  }
0x21: {  	s3 =	sadd.s32 s3, s9;
	s6 =	sadd.s32 @!p0 $0x88, s6;
	s7 =	simm.s32 @p2 $0x1082  }
0x22: {  	[simem:s7], [sflag:s8] =	dma.local @!p0 [hbm:s6], $0xF7A  }
0x23: {  	s9 =	sor.u32 $0xD0000000, s2;
	s6 =	simm.s32 $0x108;
	_ =	swait.ge @!p0 [sflag:s8], $0x0  }
0x24: {  	s3 =	sadd.s32 $0x88, s3;
	s6 =	simm.s32 @!p1 $0x1082;
	[sflag:s4] =	ssyncset.s32 $0xFFFFF086  }
0x25: {  	[simem:s6], [sflag:s4] =	dma.local [hbm:s3], $0xF7A  }
0x26: {  	[smem:$0x3F99] =	sst s1;
	(tag) =	ssettag s2;
	_ =	strace s9  }
0x27: {  	s1 =	sld [smem:$0x3FA9]  }
0x28: {  	s2 =	sld [smem:$0x3FAA]  }
0x29: {  	s4 =	sld [smem:$0x3FAC]  }
0x2a: {  	p0 =	seq.s32 s5, $0x0;
	s5 =	sld [smem:$0x3FAD]  }
0x2b: {  	s6 =	sld [smem:$0x3FAE]  }
0x2c: {  	s7 =	sld [smem:$0x3FAF]  }
0x2d: {  	s3 =	simm.s32 $0x108;
	s8 =	sld [smem:$0x3FB0]  }
0x2e: {  	s3 =	simm.s32 @!p0 $0x1082;
	s9 =	sld [smem:$0x3FB1]  }
0x2f: {  	lr =	sadd.s32 s0, s3;
	s0 =	sld [smem:$0x3FA8]  }
0x30: {  	s3 =	sld [smem:$0x3FAB]  }
0x31: {  	[smem:$0x3FB4] =	sst s10  }
0x32: {  	s10 =	sld [smem:$0x3FB2];
	_ =	sdelay $0x3  }
0x33: {  	p0 =	seq.s32 s10, $0x1;
	s10 =	sld [smem:$0x3FB4];
	_ =	sdelay $0x3  }
0x34: {  	[smem:$0x3FB4] =	sst s10  }
0x35: {  	s10 =	sld [smem:$0x3FB3];
	_ =	sdelay $0x3  }
0x36: {  	p1 =	seq.s32 s10, $0x1;
	s10 =	sld [smem:$0x3FB4];
	_ =	sdelay $0x3  }
0x37: {  	[smem:$0x3FB4] =	sst s10  }
0x38: {  	s10 =	sld [smem:$0x3FB5]  }
0x39: {  	_ = 	snop;
	(pc) =	sbr.ind lr, $3  }
0x3a: {  	_ = 	snop  }
0x3b: {  	_ = 	snop  }
0x3c: {  	p2 =	seq.s32 s10, $0x1;
	s10 =	sld [smem:$0x3FB4]  }
0x3d: {  	_ =	shalt  }
0x3e: {  	_ =	shalt  }
0x3f: {  	_ =	shalt  }
0x40: {  	_ =	shalt  }
0x41: {  	_ =	shalt  }
0x42: {  	_ =	shalt  }
0x43: {  	_ =	shalt  }
0x44: {  	_ =	shalt  }
0x45: {  	_ =	shalt  }
0x46: {  	_ =	shalt  }
0x47: {  	_ =	shalt  }
0x48: {  	_ =	shalt  }
0x49: {  	_ =	shalt  }
0x4a: {  	_ =	shalt  }
0x4b: {  	_ =	shalt  }
0x4c: {  	_ =	shalt  }
0x4d: {  	_ =	shalt  }
0x4e: {  	_ =	shalt  }
0x4f: {  	_ =	shalt  }
0x50: {  	_ =	shalt  }
0x51: {  	_ =	shalt  }
0x52: {  	_ =	shalt  }
0x53: {  	_ =	shalt  }
0x54: {  	_ =	shalt  }
0x55: {  	_ =	shalt  }
0x56: {  	_ =	shalt  }
0x57: {  	_ =	shalt  }
0x58: {  	_ =	shalt  }
0x59: {  	_ =	shalt  }
0x5a: {  	_ =	shalt  }
0x5b: {  	_ =	shalt  }
0x5c: {  	_ =	shalt  }
0x5d: {  	_ =	shalt  }
0x5e: {  	_ =	shalt  }
0x5f: {  	_ =	shalt  }
0x60: {  	_ =	shalt  }
0x61: {  	_ =	shalt  }
0x62: {  	_ =	shalt  }
0x63: {  	_ =	shalt  }
0x64: {  	_ =	shalt  }
0x65: {  	_ =	shalt  }
0x66: {  	_ =	shalt  }
0x67: {  	_ =	shalt  }
0x68: {  	_ =	shalt  }
0x69: {  	_ =	shalt  }
0x6a: {  	_ =	shalt  }
0x6b: {  	_ =	shalt  }
0x6c: {  	_ =	shalt  }
0x6d: {  	_ =	shalt  }
0x6e: {  	_ =	shalt  }
0x6f: {  	_ =	shalt  }
0x70: {  	_ =	shalt  }
0x71: {  	_ =	shalt  }
0x72: {  	_ =	shalt  }
0x73: {  	_ =	shalt  }
0x74: {  	_ =	shalt  }
0x75: {  	_ =	shalt  }
0x76: {  	_ =	shalt  }
0x77: {  	_ =	shalt  }
0x78: {  	_ =	shalt  }
0x79: {  	_ =	shalt  }
0x7a: {  	_ =	shalt  }
0x7b: {  	_ =	shalt  }
0x7c: {  	_ =	shalt  }
0x7d: {  	_ =	shalt  }
0x7e: {  	_ =	shalt  }
0x7f: {  	_ =	shalt  }
0x80: {  	_ =	shalt  }
0x81: {  	_ =	shalt  }
0x82: {  	_ =	shalt  }
0x83: {  	_ =	shalt  }
0x84: {  	_ =	shalt  }
0x85: {  	_ =	shalt  }
0x86: {  	_ =	shalt  }
0x87: {  	_ =	shalt  }
.Lfunc_end0:
.L_simem_size_0:
called_computation_lowered:
.L_overlay_start_0:
0x88: {  	s2 =	sld [smem:$0x3FD9]  }
0x89: {  	s3 =	sld [smem:$0x3FFE];
	_ =	sdelay $0x1  }
0x8a: {  	s1 =	srdreg.scid  }
0x8b: {  	s0 =	sand.u32 $0x1, s1  }
0x8c: {  	s17 =	sshll.u32 s0, $0xA;
	s2 =	sadd.s32 s3, s2  }
0x8d: {  	s2 =	sadd.s32 s2, s17  }
0x8e: {  	[smem:$0x3FC0] =	sst s2  }
0x8f: {  	_ = 	snop  }
0x90: {  	s2 =	sld [smem:$0x3FD0];
	(tm) =	ssettm $0x1  }
0x91: {  	s18 =	sld [smem:$0x3FFB];
	_ =	sdelay $0x3  }
0x92: {  	_ =	strace s18  }
0x93: {  	s3 =	sld [smem:$0x3FFC];
	_ =	sdelay $0x3  }
0x94: {  	_ =	strace s3  }
0x95: {  	s3 =	sld [smem:$0x3FFD];
	_ =	sdelay $0x3  }
0x96: {  	_ =	strace s3  }
0x97: {  	_ =	strace $0x8FFFFFFF  }
0x98: {  	s19 =	sld [smem:$0x3FDB];
	_ =	sdelay $0x1  }
0x99: {  	s4 =	simm.s32 $_scs_section_size  }
0x9a: {  	s5 =	simm.s32 $_size__tile_overlayer_lowered;
	s6 =	simm.s32 $_tile_overlayer_lowered  }
0x9b: {  	s22 =	simm.s32 $0x1BFF;
	s21 =	sshll.u32 s6, $0x1;
	s3 =	sadd.s32 s4, s19  }
0x9c: {  	s7 =	simm.s32 $0x0;
	s20 =	sshll.u32 s5, $0x1;
	s5 =	sadd.s32 s21, s3  }
0x9d: {  	[timem:s7], [sflag:s22] =	dma.local [hbm:s5], s20  }
0x9e: {  	_ =	swait.ge [sflag:s22], s20  }
0x9f: {  	s4 =	ssub.s32 $0x0, s20;
	[sflag:s22] =	ssyncset.done $0x0  }
0xa0: {  	[sflag:s22] =	ssyncadd.s32 s4;
	_ =	sdelay $0x1  }
0xa1: {  	s23 =	simm.s32 $0x1B8B  }
0xa2: {  	_ =	swait.ge [sflag:s23], $0x1  }
0xa3: {  	[sflag:s23] =	ssyncset.done $0x0  }
0xa4: {  	s25 =	simm.s32 $0x1B8E;
	s24 =	sld [smem:$0x3FFE];
	[sflag:s23] =	ssyncadd.s32 $0xFFFFFFFF  }
0xa5: {  	s26 =	simm.s32 $execute0_lowered;
	[smem:$0x3FD2] =	sst s25  }
0xa6: {  	s5 =	sshll.u32 s26, $0x1;
	_ =	strace $0x80000046;
	[dreg:$0x1] =	wrdreg $0xFFFFFFFF  }
0xa7: {  	s28 =	simm.s32 $_size_execute0_lowered;
	s3 =	sadd.s32 s3, s5;
	[dreg:$0x0] =	wrdreg $0x0  }
0xa8: {  	s5 =	sshll.u32 s28, $0x1;
	[dreg:$0x2] =	wrdreg s3  }
0xa9: {  	[dreg:$0x3] =	wrdreg s5  }
0xaa: {  	[dreg:$0x4] =	wrdreg $0xC0  }
0xab: {  	_ =	task [dreg:s7], $0x5FFFF  }
0xac: {  	[dreg:$0x1] =	wrdreg $0xFFFFFFFF  }
0xad: {  	[dreg:$0x0] =	wrdreg $0x60  }
0xae: {  	[dreg:$0x2] =	wrdreg s24  }
0xaf: {  	[dreg:$0x3] =	wrdreg s2  }
0xb0: {  	[dreg:$0x4] =	wrdreg $0x0  }
0xb1: {  	[dreg:$0x5] =	wrdreg $0x138800  }
0xb2: {  	[dreg:$0x6] =	wrdreg $0x9  }
0xb3: {  	_ =	task.clear_ibuf [dreg:s7], $0x7FFFF;
	_ =	strace $0x90000046  }
0xb4: {  	s29 =	simm.s32 $0x9;
	_ =	strace $0x80000048  }
0xb5: {  	_ =	swait.ge [sflag:s29], $0x1  }
0xb6: {  	[sflag:s29] =	ssyncadd.s32 $0xFFFFFFFF  }
0xb7: {  	_ =	strace $0x90000048  }
0xb8: {  	_ =	sfence  }
0xb9: {  	s30 =	sld [smem:$0x0];
	_ =	sdelay $0x2  }
0xba: {  	s31 =	sshll.u32 s1, $0xD;
	s1 =	sshrl.u32 s1, $0x2  }
0xbb: {  	s3 =	sand.u32 $0x4000, s31;
	s1 =	sadd.s32 s1, s30  }
0xbc: {  	s0 =	sor.u32 s3, s0;
	s1 =	sshll.u32 s1, $0x11  }
0xbd: {  	s0 =	sor.u32 s1, s0  }
0xbe: {  	s0 =	sadd.s32 $0x8F2B, s0  }
0xbf: {  	[sflag:s0] =	ssyncadd.remote.s32 $0x1  }
0xc0: {  	_ =	sfence.sel $0xFFFF  }
0xc1: {  	[dreg:$0x0] =	wrdreg $0xFFFFFFFF;
	(pc) =	sbr.abs _section_cstart, $3  }
0xc2: {  	[dreg:$0x1] =	wrdreg $0xFFFFFFFF  }
0xc3: {  	_ =	task.clear_ibuf [dreg:s7], $0x2FFFF;
	_ =	strace $0x9FFFFFFF  }
0xc4: {  	(tm) =	ssettm $0x7FFFFFFF  }
0xc5: {  	_ =	shalt  }
tec
execute0_lowered:
.L_overlay_start_1:
0x0: {  	(tag) =	ssettag $0x1  }
0x1: {  	s0 =	rddreg [dreg:$0x0]  }
0x2: {  	s7 =	rddreg [dreg:$0x1]  }
0x3: {  	s1 =	rddreg [dreg:$0x2]  }
0x4: {  	s2 =	rddreg [dreg:$0x3];
	s3 =	simm.s32 $0x0;
	s25 =	stileid.u32  }
0x5: {  	s6 =	srdreg.scid;
	s28 =	simm.s32 $0x1;
	s29 =	simm.s32 $0x1CAF8  }
0x6: {  	s30 =	simm.s32 $0x0;
	[smem:$0x7FF] =	sst s3;
	s12 =	smul.u32 $0x500, s25  }
0x7: {  	s4 =	sadd.s32 $0x2E400, s0;
	s5 =	sadd.s32 $0x7200, s0;
	s8 =	smul.u32 $0x2700, s25  }
0x8: {  	s23 =	sand.u32 $0x1, s6;
	s9 =	smul.u32 $0x4E000, s25;
	s6 =	sadd.s32 $0x7C800, s0  }
0x9: {  	s10 =	sadd.s32 $0x7CE00, s0;
	s22 =	sshll.u32 s25, $0x6;
	s11 =	sadd.s32 $0x7C600, s0  }
0xa: {  	s26 =	sadd.s32 $0xCB600, s0;
	s17 =	sadd.s32 $0xA4400, s0;
	p0 =	sne.s32 s25, $0x0  }
0xb: {  	p3 =	seq.s32 s25, $0x0;
	_ =	strace $0x80000047;
	[dreg:$0x5] =	wrdreg s10  }
0xc: {  	s20 =	ssub.s32 $0x2, s23;
	s10 =	sadd.s32 $0x138000, s1;
	[dreg:$0x7] =	wrdreg s26  }
0xd: {  	p2 =	sne.s32 s23, $0x0;
	s26 =	simm.s32 $0x18AF8;
	s13 =	sadd.s32 s12, s0  }
0xe: {  	s16 =	sadd.s32 s8, s0;
	s21 =	sshrl.u32 s20, $0x1;
	s9 =	sshrl.u32 s9, $0x2  }
0xf: {  	s12 =	sadd.s32 s7, s12;
	s18 =	ssub.s32 s20, s21;
	s19 =	sadd.s32 s9, s1  }
0x10: {  	s8 =	sadd.s32 $0x55600, s16;
	s9 =	sor.u32 $0x1C02, s22;
	s20 =	sor.u32 s25, s23  }
.Ltmp0:
0x11: {  	s13 =	sadd.s32 $0x2200, s13;
	s24 =	sadd.s32 $0xA4600, s16;
	(pc) =	sbr.rel .LBB2_1-.Ltmp0, $4  }
0x12: {  	s31 =	sadd.s32 $0x7D400, s16;
	s21 =	sshrl.u32 @!p0 s10, $0x3;
	[dreg:$0x6] =	wrdreg s24  }
0x13: {  	s23 =	simm.s32 $0x13AF8;
	s25 =	simm.s32 $0x7D;
	[dreg:$0x8] =	wrdreg s31  }
0x14: {  	s18 =	smax.u32 s18, $0x1;
	s19 =	sshrl.u32 s19, $0x3;
	p1 =	sne.s32 s20, $0x0  }
0x15: {  	v0 =	vimm.f32 $1.000000000e+00;
	s20 =	simm.s32 $0x2;
	s24 =	simm.s32 $0x162F8;
	s22 =	sshrl.u32 @!p1 s2, $0x3  }
.LBB2_7:
0x16: {  	s7 =	sadd.s32 $0x13AF8, s0;
	[sflag:s20] =	ssyncadd.s32 $0xFFFFC180  }
0x17: {  	[tilespmem:s26], [sflag:$0x1] =	stream.indirect.gather [hbm4b:s5+s25], $0x80, s7, s25, $0xb8;
	[tilespmem:$0x1CB78] =	vst v63  }
0x18: {  	_ =	swait.ge [sflag:s28], $0x3E80  }
0x19: {  	[sflag:s28] =	ssyncset.done $0x0  }
0x1a: {  	s15 =	sadd.s32 $0x162F8, s0;
	[sflag:s28] =	ssyncadd.s32 $0xFFFFC180  }
0x1b: {  	[spmem:s1] =	stream.indirect.scatter.add.f32 [tilespmem:s26], [sflag:$0x2], $0x80, s15, s25, $0xb8;
	[tilespmem:$0x1CB78] =	vst v63  }
0x1c: {  	_ =	swait.ge [sflag:s20], $0x3E80  }
0x1d: {  	[sflag:s20] =	ssyncset.done $0x0  }
0x1e: {  	[sflag:s20] =	ssyncadd.s32 $0xFFFFC180  }
0x1f: {  	[bflag:$0x0] =	sbarrier.arrive $0xFFFF  }
0x20: {  	s16 =	rddreg [dreg:$0x6]  }
0x21: {  	[hbm:s16], [sflag:s9] =	dma.local [spmem:s19], $0x2700  }
0x22: {  	_ =	swait.ge [sflag:s20], $0x2700  }
0x23: {  	[sflag:s20] =	ssyncset.done $0x0  }
0x24: {  	s0 =	rddreg [dreg:$0x7];
	[sflag:s20] =	ssyncadd.s32 $0xFFFFD900  }
0x25: {  	[hbm:s0], [sflag:s9] =	dma.local @p3 [spmem:s31], $0x100  }
0x26: {  	s0 =	simm.s32 @p3 $0x2  }
0x27: {  	_ =	swait.ge @p3 [sflag:s0], $0x100  }
0x28: {  	[sflag:s0] =	ssyncset.done @p3 $0x0  }
0x29: {  	[sflag:s0] =	ssyncadd.s32 @p3 $0xFFFFFF00  }
.LBB2_8:
0x2a: {  	s30 =	sadd.s32 $0x1, s30  }
0x2b: {  	p4 =	sne.s32 s30, s18  }
.Ltmp1:
0x2c: {  	_ = 	snop;
	(pc) =	sbr.rel @!p4 .LBB2_9-.Ltmp1, $1  }
0x2d: {  	_ =	sdelay $0x3  }
.LBB2_1:
0x2e: {  	[spmem:s19], [sflag:s9] =	dma.local [hbm:s8], $0x2700  }
0x2f: {  	_ =	swait.ge [sflag:s20], $0x2700  }
0x30: {  	[sflag:s20] =	ssyncset.done $0x0  }
0x31: {  	s0 =	simm.s32 @!p0 $0x2;
	[sflag:s20] =	ssyncadd.s32 $0xFFFFD900  }
0x32: {  	[spmem:s21], [sflag:s9] =	dma.local @!p0 [hbm:s11], $0x100  }
0x33: {  	_ =	swait.ge @!p0 [sflag:s0], $0x100  }
0x34: {  	[sflag:s0] =	ssyncset.done @!p0 $0x0  }
0x35: {  	[sflag:s0] =	ssyncadd.s32 @!p0 $0xFFFFFF00;
	s0 =	simm.s32 @!p1 $0x2  }
0x36: {  	[spmem:s22], [sflag:s9] =	dma.local @!p1 [hbm:s6], $0x4F0  }
0x37: {  	_ =	swait.ge @!p1 [sflag:s0], $0x4F0  }
0x38: {  	[sflag:s0] =	ssyncset.done @!p1 $0x0  }
0x39: {  	[sflag:s0] =	ssyncadd.s32 @!p1 $0xFFFFFB10  }
0x3a: {  	[tilespmem:s23], [sflag:$0x2] =	stream.linear.gather [hbm4b:s12+s3], $0x2800, $0x38;
	[tilespmem:$0x1CB78] =	vst v63  }
0x3b: {  	_ =	swait.ge [sflag:s20], $0x2800  }
0x3c: {  	[sflag:s20] =	ssyncset.done $0x0  }
0x3d: {  	[sflag:s20] =	ssyncadd.s32 $0xFFFFD800  }
0x3e: {  	[tilespmem:s24], [sflag:$0x2] =	stream.linear.gather [hbm4b:s13+s3], $0x2800, $0x38;
	[tilespmem:$0x1CB78] =	vst v63  }
0x3f: {  	_ =	swait.ge [sflag:s20], $0x2800  }
0x40: {  	[sflag:s20] =	ssyncset.done $0x0  }
0x41: {  	[sflag:s20] =	ssyncadd.s32 $0xFFFFD800  }
0x42: {  	[tilespmem:$0x1CAF8] =	vst v0  }
0x43: {  	[tilespmem:$0x1CB08] =	vst v0  }
0x44: {  	[tilespmem:$0x1CB18] =	vst v0  }
0x45: {  	[tilespmem:$0x1CB28] =	vst v0  }
0x46: {  	[tilespmem:$0x1CB38] =	vst v0  }
.Ltmp2:
0x47: {  	[tilespmem:$0x1CB48] =	vst v0;
	(pc) =	sbr.rel @p2 .LBB2_5-.Ltmp2, $4  }
0x48: {  	[tilespmem:$0x1CB58] =	vst v0  }
0x49: {  	[tilespmem:$0x1CB68] =	vst v0  }
0x4a: {  	[bflag:$0x0] =	sbarrier.arrive $0xFFFF  }
0x4b: {  	s31 =	sshrl.u32 @p3 s10, $0x3;
	s0 =	simm.s32 $0x13AF8  }
0x4c: {  	[tilespmem:s26], [sflag:$0x1] =	stream.indirect.gather [hbm4b:s4+s25], $0x80, s0, s25, $0xb8;
	[tilespmem:$0x1CB78] =	vst v63  }
0x4d: {  	_ =	swait.ge [sflag:s28], $0x3E80  }
0x4e: {  	[sflag:s28] =	ssyncset.done $0x0  }
0x4f: {  	s16 =	simm.s32 $0x162F8;
	[sflag:s28] =	ssyncadd.s32 $0xFFFFC180  }
0x50: {  	[spmem:s1] =	stream.indirect.scatter.add.f32 [tilespmem:s26], [sflag:$0x2], $0x80, s16, s25, $0xb8;
	[tilespmem:$0x1CB78] =	vst v63  }
0x51: {  	_ =	swait.ge [sflag:s20], $0x3E80  }
0x52: {  	[sflag:s20] =	ssyncset.done $0x0  }
0x53: {  	[sflag:s20] =	ssyncadd.s32 $0xFFFFC180  }
0x54: {  	[spmem:s2] =	stream.indirect.scatter.add.f32 [tilespmem:s29], [sflag:$0x2], $0x1, s16, s25, $0xb8;
	[tilespmem:$0x1CB78] =	vst v63  }
0x55: {  	_ =	swait.ge [sflag:s20], $0x7D  }
0x56: {  	s7 =	simm.s32 $0x400;
	s0 =	simm.s32 $0x80;
	[sflag:s20] =	ssyncset.done $0x0  }
.LBB2_3:
0x57: {  	s14 =	sadd.s32 $0x13AF8, s0  }
0x58: {  	[sflag:s20] =	ssyncadd.s32 $0xFFFFFF83;
	s15 =	smov.u32 s7;
	s16 =	sadd.s32 $0x200, s7  }
0x59: {  	[tilespmem:s26], [sflag:$0x1] =	stream.indirect.gather [hbm4b:s4+s25], $0x80, s14, s25, $0xb8;
	[tilespmem:$0x1CB78] =	vst v63  }
0x5a: {  	p4 =	sne.s32 s7, $0x9E00;
	_ =	swait.ge [sflag:s28], $0x3E80  }
0x5b: {  	[sflag:s28] =	ssyncset.done $0x0  }
0x5c: {  	s0 =	sadd.s32 $0x162F8, s0;
	[sflag:s28] =	ssyncadd.s32 $0xFFFFC180  }
0x5d: {  	[spmem:s1] =	stream.indirect.scatter.add.f32 [tilespmem:s26], [sflag:$0x2], $0x80, s0, s25, $0xb8;
	[tilespmem:$0x1CB78] =	vst v63  }
0x5e: {  	_ =	swait.ge [sflag:s20], $0x3E80  }
.Ltmp3:
0x5f: {  	[sflag:s20] =	ssyncset.done $0x0;
	(pc) =	sbr.rel @p4 .LBB2_3-.Ltmp3, $4  }
0x60: {  	[sflag:s20] =	ssyncadd.s32 $0xFFFFC180  }
0x61: {  	[spmem:s2] =	stream.indirect.scatter.add.f32 [tilespmem:s29], [sflag:$0x2], $0x1, s0, s25, $0xb8;
	[tilespmem:$0x1CB78] =	vst v63  }
0x62: {  	_ =	swait.ge [sflag:s20], $0x7D  }
0x63: {  	s7 =	smov.u32 s16;
	s0 =	sshra.s32 s15, $0x2;
	[sflag:s20] =	ssyncset.done $0x0  }
0x64: {  	s7 =	sadd.s32 $0x13AF8, s0;
	[sflag:s20] =	ssyncadd.s32 $0xFFFFFF83  }
0x65: {  	[tilespmem:s26], [sflag:$0x1] =	stream.indirect.gather [hbm4b:s4+s25], $0x80, s7, s25, $0xb8;
	[tilespmem:$0x1CB78] =	vst v63  }
0x66: {  	_ =	swait.ge [sflag:s28], $0x3E80  }
0x67: {  	[sflag:s28] =	ssyncset.done $0x0  }
0x68: {  	s15 =	sadd.s32 $0x162F8, s0;
	[sflag:s28] =	ssyncadd.s32 $0xFFFFC180  }
0x69: {  	[spmem:s1] =	stream.indirect.scatter.add.f32 [tilespmem:s26], [sflag:$0x2], $0x80, s15, s25, $0xb8;
	[tilespmem:$0x1CB78] =	vst v63  }
0x6a: {  	_ =	swait.ge [sflag:s20], $0x3E80  }
0x6b: {  	[sflag:s20] =	ssyncset.done $0x0  }
0x6c: {  	[sflag:s20] =	ssyncadd.s32 $0xFFFFC180  }
0x6d: {  	[spmem:s2] =	stream.indirect.scatter.add.f32 [tilespmem:s29], [sflag:$0x2], $0x1, s15, s25, $0xb8;
	[tilespmem:$0x1CB78] =	vst v63  }
0x6e: {  	_ =	swait.ge [sflag:s20], $0x7D  }
0x6f: {  	[sflag:s20] =	ssyncset.done $0x0  }
0x70: {  	[sflag:s20] =	ssyncadd.s32 $0xFFFFFF83  }
0x71: {  	[bflag:$0x0] =	sbarrier.arrive $0xFFFF  }
0x72: {  	s16 =	rddreg [dreg:$0x8]  }
0x73: {  	[hbm:s16], [sflag:s9] =	dma.local [spmem:s19], $0x2700  }
0x74: {  	_ =	swait.ge [sflag:s20], $0x2700  }
0x75: {  	[sflag:s20] =	ssyncset.done $0x0  }
0x76: {  	s0 =	simm.s32 @p3 $0x2;
	[sflag:s20] =	ssyncadd.s32 $0xFFFFD900  }
0x77: {  	[hbm:s17], [sflag:s9] =	dma.local @p3 [spmem:s31], $0x100  }
0x78: {  	_ =	swait.ge @p3 [sflag:s0], $0x100  }
0x79: {  	s7 =	sshrl.u32 @p3 s2, $0x3;
	[sflag:s0] =	ssyncset.done @p3 $0x0  }
.Ltmp4:
0x7a: {  	s14 =	rddreg [dreg:$0x5];
	[sflag:s0] =	ssyncadd.s32 @p3 $0xFFFFFF00;
	(pc) =	sbr.rel .LBB2_8-.Ltmp4, $4  }
0x7b: {  	[hbm:s14], [sflag:s9] =	dma.local @p3 [spmem:s7], $0x4F0  }
0x7c: {  	_ =	swait.ge @p3 [sflag:s0], $0x4F0  }
0x7d: {  	[sflag:s0] =	ssyncset.done @p3 $0x0  }
0x7e: {  	[sflag:s0] =	ssyncadd.s32 @p3 $0xFFFFFB10  }
.LBB2_5:
0x7f: {  	[tilespmem:s26], [sflag:$0x1] =	stream.indirect.gather [hbm4b:s5+s25], $0x80, s0, s25, $0xb8;
	[tilespmem:$0x1CB78] =	vst v63  }
0x80: {  	_ =	swait.ge [sflag:s28], $0x3E80  }
0x81: {  	[sflag:s28] =	ssyncset.done $0x0  }
0x82: {  	s16 =	simm.s32 $0x162F8;
	[sflag:s28] =	ssyncadd.s32 $0xFFFFC180  }
0x83: {  	[spmem:s1] =	stream.indirect.scatter.add.f32 [tilespmem:s26], [sflag:$0x2], $0x80, s16, s25, $0xb8;
	[tilespmem:$0x1CB78] =	vst v63  }
0x84: {  	_ =	swait.ge [sflag:s20], $0x3E80  }
0x85: {  	s7 =	simm.s32 $0x400;
	s0 =	simm.s32 $0x80;
	[sflag:s20] =	ssyncset.done $0x0  }
.LBB2_6:
0x86: {  	s14 =	sadd.s32 $0x13AF8, s0  }
0x87: {  	[sflag:s20] =	ssyncadd.s32 $0xFFFFC180;
	s15 =	smov.u32 s7;
	s16 =	sadd.s32 $0x200, s7  }
0x88: {  	[tilespmem:s26], [sflag:$0x1] =	stream.indirect.gather [hbm4b:s5+s25], $0x80, s14, s25, $0xb8;
	[tilespmem:$0x1CB78] =	vst v63  }
0x89: {  	p4 =	sne.s32 s7, $0x9E00;
	_ =	swait.ge [sflag:s28], $0x3E80  }
.Ltmp5:
0x8a: {  	[sflag:s28] =	ssyncset.done $0x0;
	(pc) =	sbr.rel @p4 .LBB2_6-.Ltmp5, $4  }
0x8b: {  	s0 =	sadd.s32 $0x162F8, s0;
	[sflag:s28] =	ssyncadd.s32 $0xFFFFC180  }
0x8c: {  	[spmem:s1] =	stream.indirect.scatter.add.f32 [tilespmem:s26], [sflag:$0x2], $0x80, s0, s25, $0xb8;
	[tilespmem:$0x1CB78] =	vst v63  }
0x8d: {  	_ =	swait.ge [sflag:s20], $0x3E80  }
0x8e: {  	s7 =	smov.u32 s16;
	s0 =	sshra.s32 s15, $0x2;
	[sflag:s20] =	ssyncset.done $0x0  }
.Ltmp6:
0x8f: {  	_ = 	snop;
	(pc) =	sbr.rel .LBB2_7-.Ltmp6, $1  }
0x90: {  	_ =	sdelay $0x3  }
.LBB2_9:
0x91: {  	_ =	sfence.sel $0x180000  }
0x92: {  	[bflag:$0x0] =	sbarrier.arrive $0xFFFF  }
0x93: {  	_ =	strace $0x90000047  }
0x94: {  	[bflag:$0x2] =	sbarrier.arrive $0xFFFF  }
0x95: {  	s0 =	rddreg [dreg:$0x4]  }
0x96: {  	s0 =	sadd.s32 @!p0 $0x100000, s0  }
0x97: {  	[sflag:s0] =	ssyncadd.tile.s32 @!p0 $0x1;
	_ =	shalt  }
.Lfunc_end2:
_tile_overlayer_lowered:
.L_overlay_start_2:
0x98: {  	(tag) =	ssettag $0x2  }
0x99: {  	s0 =	rddreg [dreg:$0x0];
	s2 =	stileid.u32  }
0x9a: {  	s1 =	rddreg [dreg:$0x1];
	p0 =	sne.s32 s2, $0x0  }
0x9b: {  	s3 =	rddreg [dreg:$0x2];
	[bflag:$0x3] =	sbarrier.arrive $0xFFFF;
	s2 =	simm.s32 @!p0 $0x1C02  }
0x9c: {  	[timem:s3], [sflag:s2] =	dma.local @!p0 [hbm:s0], s1  }
0x9d: {  	s0 =	simm.s32 @!p0 $0x2  }
0x9e: {  	_ =	swait.ge @!p0 [sflag:s0], s1  }
0x9f: {  	s1 =	ssub.s32 @!p0 $0x0, s1;
	[sflag:s0] =	ssyncset.done @!p0 $0x0  }
0xa0: {  	[sflag:s0] =	ssyncadd.s32 @!p0 s1  }
0xa1: {  	[bflag:$0x3] =	sbarrier.arrive $0xFFFF  }
0xa2: {  	_ =	shalt  }

// kernel: kernel.9.cloned.1.call-start
scs
__scs_entry_jumppad:
0x0: {  	(pc) =	sbr.rel $0x88, $3  }
0x1: {  	(tag) =	ssettag $0x0;
	lr =	simm.s32 $0x1  }
0x2: {  	[smem:$0x3F99] =	sst lr;
	_ =	strace $0xD0000000  }
0x3: {  	_ = 	snop  }
0x4: {  	_ = 	snop  }
0x5: {  	_ = 	snop  }
0x6: {  	_ = 	snop  }
0x7: {  	_ = 	snop  }
__scs_overlays_trampoline_lowered:
0x8: {  	[smem:$0x3FA8] =	sst s0  }
0x9: {  	[smem:$0x3FA9] =	sst s1  }
0xa: {  	[smem:$0x3FAA] =	sst s2  }
0xb: {  	[smem:$0x3FAB] =	sst s3  }
0xc: {  	[smem:$0x3FAC] =	sst s4  }
0xd: {  	[smem:$0x3FAD] =	sst s5  }
0xe: {  	[smem:$0x3FAE] =	sst s6  }
0xf: {  	[smem:$0x3FAF] =	sst s7  }
0x10: {  	[smem:$0x3FB0] =	sst s8  }
0x11: {  	[smem:$0x3FB1] =	sst s9;
	s0 =	simm.s32 @!p0 $0x0  }
0x12: {  	s1 =	sld [smem:$0x3F97];
	s0 =	simm.s32 @p0 $0x1  }
0x13: {  	[smem:$0x3FB2] =	sst s0;
	s0 =	simm.s32 @!p1 $0x0  }
0x14: {  	s2 =	sld [smem:$0x3F96];
	s0 =	simm.s32 @p1 $0x1  }
0x15: {  	[smem:$0x3FB3] =	sst s0;
	s0 =	simm.s32 @!p2 $0x0  }
0x16: {  	s3 =	sld [smem:$0x3FDB];
	s0 =	simm.s32 @p2 $0x1  }
0x17: {  	s4 =	simm.s32 $0x1BF5;
	[smem:$0x3FB5] =	sst s0  }
0x18: {  	s0 =	sld [smem:$0x3F98];
	_ =	swait.ge [sflag:s4], $0x0  }
0x19: {  	s7 =	sld [smem:$0x3F99]  }
0x1a: {  	s8 =	sadd.s32 $0xFFFFE003, lr  }
0x1b: {  	s9 =	sadd.s32 $0xFFFFFEF7, lr;
	s5 =	simm.s32 $0xFFFFFFFF;
	p2 =	slt.u32 s8, $0xFFFFF086  }
0x1c: {  	p1 =	slt.u32 s9, $0xF7A;
	s5 =	simm.s32 @!p2 $0x0  }
0x1d: {  	s5 =	simm.s32 @p1 $0x1;
	p0 =	seq.s32 s7, s2  }
0x1e: {  	s7 =	smul.u32 @!p0 $0xF7A, s2;
	p2 =	seq.s32 @!p0 s5, $0x0  }
0x1f: {  	s9 =	smul.u32 $0xF7A, s1;
	s8 =	simm.s32 @!p0 $0x1BF5;
	p2 =	por !p2, p0  }
0x20: {  	[sflag:s8] =	ssyncset.s32 @!p0 $0xFFFFF086;
	s6 =	sadd.s32 @!p0 s3, s7;
	s7 =	simm.s32 @!p0 $0x108  }
0x21: {  	s3 =	sadd.s32 s3, s9;
	s6 =	sadd.s32 @!p0 $0x88, s6;
	s7 =	simm.s32 @p2 $0x1082  }
0x22: {  	[simem:s7], [sflag:s8] =	dma.local @!p0 [hbm:s6], $0xF7A  }
0x23: {  	s9 =	sor.u32 $0xD0000000, s2;
	s6 =	simm.s32 $0x108;
	_ =	swait.ge @!p0 [sflag:s8], $0x0  }
0x24: {  	s3 =	sadd.s32 $0x88, s3;
	s6 =	simm.s32 @!p1 $0x1082;
	[sflag:s4] =	ssyncset.s32 $0xFFFFF086  }
0x25: {  	[simem:s6], [sflag:s4] =	dma.local [hbm:s3], $0xF7A  }
0x26: {  	[smem:$0x3F99] =	sst s1;
	(tag) =	ssettag s2;
	_ =	strace s9  }
0x27: {  	s1 =	sld [smem:$0x3FA9]  }
0x28: {  	s2 =	sld [smem:$0x3FAA]  }
0x29: {  	s4 =	sld [smem:$0x3FAC]  }
0x2a: {  	p0 =	seq.s32 s5, $0x0;
	s5 =	sld [smem:$0x3FAD]  }
0x2b: {  	s6 =	sld [smem:$0x3FAE]  }
0x2c: {  	s7 =	sld [smem:$0x3FAF]  }
0x2d: {  	s3 =	simm.s32 $0x108;
	s8 =	sld [smem:$0x3FB0]  }
0x2e: {  	s3 =	simm.s32 @!p0 $0x1082;
	s9 =	sld [smem:$0x3FB1]  }
0x2f: {  	lr =	sadd.s32 s0, s3;
	s0 =	sld [smem:$0x3FA8]  }
0x30: {  	s3 =	sld [smem:$0x3FAB]  }
0x31: {  	[smem:$0x3FB4] =	sst s10  }
0x32: {  	s10 =	sld [smem:$0x3FB2];
	_ =	sdelay $0x3  }
0x33: {  	p0 =	seq.s32 s10, $0x1;
	s10 =	sld [smem:$0x3FB4];
	_ =	sdelay $0x3  }
0x34: {  	[smem:$0x3FB4] =	sst s10  }
0x35: {  	s10 =	sld [smem:$0x3FB3];
	_ =	sdelay $0x3  }
0x36: {  	p1 =	seq.s32 s10, $0x1;
	s10 =	sld [smem:$0x3FB4];
	_ =	sdelay $0x3  }
0x37: {  	[smem:$0x3FB4] =	sst s10  }
0x38: {  	s10 =	sld [smem:$0x3FB5]  }
0x39: {  	_ = 	snop;
	(pc) =	sbr.ind lr, $3  }
0x3a: {  	_ = 	snop  }
0x3b: {  	_ = 	snop  }
0x3c: {  	p2 =	seq.s32 s10, $0x1;
	s10 =	sld [smem:$0x3FB4]  }
0x3d: {  	_ =	shalt  }
0x3e: {  	_ =	shalt  }
0x3f: {  	_ =	shalt  }
0x40: {  	_ =	shalt  }
0x41: {  	_ =	shalt  }
0x42: {  	_ =	shalt  }
0x43: {  	_ =	shalt  }
0x44: {  	_ =	shalt  }
0x45: {  	_ =	shalt  }
0x46: {  	_ =	shalt  }
0x47: {  	_ =	shalt  }
0x48: {  	_ =	shalt  }
0x49: {  	_ =	shalt  }
0x4a: {  	_ =	shalt  }
0x4b: {  	_ =	shalt  }
0x4c: {  	_ =	shalt  }
0x4d: {  	_ =	shalt  }
0x4e: {  	_ =	shalt  }
0x4f: {  	_ =	shalt  }
0x50: {  	_ =	shalt  }
0x51: {  	_ =	shalt  }
0x52: {  	_ =	shalt  }
0x53: {  	_ =	shalt  }
0x54: {  	_ =	shalt  }
0x55: {  	_ =	shalt  }
0x56: {  	_ =	shalt  }
0x57: {  	_ =	shalt  }
0x58: {  	_ =	shalt  }
0x59: {  	_ =	shalt  }
0x5a: {  	_ =	shalt  }
0x5b: {  	_ =	shalt  }
0x5c: {  	_ =	shalt  }
0x5d: {  	_ =	shalt  }
0x5e: {  	_ =	shalt  }
0x5f: {  	_ =	shalt  }
0x60: {  	_ =	shalt  }
0x61: {  	_ =	shalt  }
0x62: {  	_ =	shalt  }
0x63: {  	_ =	shalt  }
0x64: {  	_ =	shalt  }
0x65: {  	_ =	shalt  }
0x66: {  	_ =	shalt  }
0x67: {  	_ =	shalt  }
0x68: {  	_ =	shalt  }
0x69: {  	_ =	shalt  }
0x6a: {  	_ =	shalt  }
0x6b: {  	_ =	shalt  }
0x6c: {  	_ =	shalt  }
0x6d: {  	_ =	shalt  }
0x6e: {  	_ =	shalt  }
0x6f: {  	_ =	shalt  }
0x70: {  	_ =	shalt  }
0x71: {  	_ =	shalt  }
0x72: {  	_ =	shalt  }
0x73: {  	_ =	shalt  }
0x74: {  	_ =	shalt  }
0x75: {  	_ =	shalt  }
0x76: {  	_ =	shalt  }
0x77: {  	_ =	shalt  }
0x78: {  	_ =	shalt  }
0x79: {  	_ =	shalt  }
0x7a: {  	_ =	shalt  }
0x7b: {  	_ =	shalt  }
0x7c: {  	_ =	shalt  }
0x7d: {  	_ =	shalt  }
0x7e: {  	_ =	shalt  }
0x7f: {  	_ =	shalt  }
0x80: {  	_ =	shalt  }
0x81: {  	_ =	shalt  }
0x82: {  	_ =	shalt  }
0x83: {  	_ =	shalt  }
0x84: {  	_ =	shalt  }
0x85: {  	_ =	shalt  }
0x86: {  	_ =	shalt  }
0x87: {  	_ =	shalt  }
.Lfunc_end0:
.L_simem_size_0:
called_computation.1_lowered:
.L_overlay_start_0:
0x88: {  	s2 =	sld [smem:$0x3FD9]  }
0x89: {  	s3 =	sld [smem:$0x3FFE];
	_ =	sdelay $0x1  }
0x8a: {  	s1 =	srdreg.scid  }
0x8b: {  	s0 =	sand.u32 $0x1, s1  }
0x8c: {  	s16 =	sshll.u32 s0, $0xA;
	s2 =	sadd.s32 s3, s2  }
0x8d: {  	s2 =	sadd.s32 s2, s16  }
0x8e: {  	[smem:$0x3FC0] =	sst s2  }
0x8f: {  	_ = 	snop  }
0x90: {  	(tm) =	ssettm $0x1  }
0x91: {  	s17 =	sld [smem:$0x3FFB];
	_ =	sdelay $0x3  }
0x92: {  	_ =	strace s17  }
0x93: {  	s2 =	sld [smem:$0x3FFC];
	_ =	sdelay $0x3  }
0x94: {  	_ =	strace s2  }
0x95: {  	s2 =	sld [smem:$0x3FFD];
	_ =	sdelay $0x3  }
0x96: {  	_ =	strace s2  }
0x97: {  	_ =	strace $0x8FFFFFFF  }
0x98: {  	s18 =	sld [smem:$0x3FDB];
	_ =	sdelay $0x1  }
0x99: {  	s19 =	simm.s32 $_scs_section_size  }
0x9a: {  	s4 =	simm.s32 $_size__tile_overlayer_lowered;
	s5 =	simm.s32 $_tile_overlayer_lowered  }
0x9b: {  	s22 =	simm.s32 $0x1BFF;
	s21 =	sshll.u32 s5, $0x1;
	s2 =	sadd.s32 s19, s18  }
0x9c: {  	s6 =	simm.s32 $0x0;
	s20 =	sshll.u32 s4, $0x1;
	s4 =	sadd.s32 s21, s2  }
0x9d: {  	[timem:s6], [sflag:s22] =	dma.local [hbm:s4], s20  }
0x9e: {  	_ =	swait.ge [sflag:s22], s20  }
0x9f: {  	s3 =	ssub.s32 $0x0, s20;
	[sflag:s22] =	ssyncset.done $0x0  }
0xa0: {  	[sflag:s22] =	ssyncadd.s32 s3;
	_ =	sdelay $0x1  }
0xa1: {  	s23 =	simm.s32 $0x1B8B  }
0xa2: {  	_ =	swait.ge [sflag:s23], $0x1  }
0xa3: {  	[sflag:s23] =	ssyncset.done $0x0  }
0xa4: {  	s25 =	simm.s32 $0x1B8E;
	s24 =	sld [smem:$0x3FFE];
	[sflag:s23] =	ssyncadd.s32 $0xFFFFFFFF  }
0xa5: {  	s26 =	simm.s32 $execute0_lowered;
	[smem:$0x3FD2] =	sst s25  }
0xa6: {  	s4 =	sshll.u32 s26, $0x1;
	_ =	strace $0x80000049;
	[dreg:$0x1] =	wrdreg $0xFFFFFFFF  }
0xa7: {  	s28 =	simm.s32 $_size_execute0_lowered;
	s2 =	sadd.s32 s2, s4;
	[dreg:$0x0] =	wrdreg $0x0  }
0xa8: {  	s4 =	sshll.u32 s28, $0x1;
	[dreg:$0x2] =	wrdreg s2  }
0xa9: {  	[dreg:$0x3] =	wrdreg s4  }
0xaa: {  	[dreg:$0x4] =	wrdreg $0xC0  }
0xab: {  	_ =	task [dreg:s6], $0x5FFFF  }
0xac: {  	[dreg:$0x1] =	wrdreg $0xFFFFFFFF  }
0xad: {  	[dreg:$0x0] =	wrdreg $0x60  }
0xae: {  	[dreg:$0x2] =	wrdreg s24  }
0xaf: {  	[dreg:$0x3] =	wrdreg $0x0  }
0xb0: {  	[dreg:$0x4] =	wrdreg $0x9  }
0xb1: {  	_ =	task.clear_ibuf [dreg:s6], $0x5FFFF;
	_ =	strace $0x90000049  }
0xb2: {  	s29 =	simm.s32 $0x9;
	_ =	strace $0x8000004B  }
0xb3: {  	_ =	swait.ge [sflag:s29], $0x1  }
0xb4: {  	[sflag:s29] =	ssyncadd.s32 $0xFFFFFFFF  }
0xb5: {  	_ =	strace $0x9000004B  }
0xb6: {  	_ =	sfence  }
0xb7: {  	s30 =	sld [smem:$0x0];
	_ =	sdelay $0x2  }
0xb8: {  	s31 =	sshll.u32 s1, $0xD;
	s1 =	sshrl.u32 s1, $0x2  }
0xb9: {  	s3 =	sand.u32 $0x4000, s31;
	s1 =	sadd.s32 s1, s30  }
0xba: {  	s0 =	sor.u32 s3, s0;
	s1 =	sshll.u32 s1, $0x11  }
0xbb: {  	s0 =	sor.u32 s1, s0  }
0xbc: {  	s0 =	sadd.s32 $0x8F2B, s0  }
0xbd: {  	[sflag:s0] =	ssyncadd.remote.s32 $0x1  }
0xbe: {  	_ =	sfence.sel $0xFFFF  }
0xbf: {  	[dreg:$0x0] =	wrdreg $0xFFFFFFFF;
	(pc) =	sbr.abs _section_cstart, $3  }
0xc0: {  	[dreg:$0x1] =	wrdreg $0xFFFFFFFF  }
0xc1: {  	_ =	task.clear_ibuf [dreg:s6], $0x2FFFF;
	_ =	strace $0x9FFFFFFF  }
0xc2: {  	(tm) =	ssettm $0x7FFFFFFF  }
0xc3: {  	_ =	shalt  }
tec
execute0_lowered:
.L_overlay_start_1:
0x0: {  	(tag) =	ssettag $0x1  }
0x1: {  	s0 =	srdreg.scid;
	s9 =	rddreg [dreg:$0x0]  }
0x2: {  	s1 =	rddreg [dreg:$0x1];
	s23 =	stileid.u32;
	s2 =	simm.s32 $0x0  }
0x3: {  	s16 =	simm.s32 $0x2;
	s18 =	simm.s32 $0x13880;
	s19 =	simm.s32 $0x14C80  }
0x4: {  	s20 =	simm.s32 $0x7D;
	s21 =	simm.s32 $0x16080;
	s22 =	simm.s32 $0x1  }
0x5: {  	s12 =	sand.u32 $0x1, s0;
	s0 =	rddreg [dreg:$0x2];
	s13 =	smul.u32 $0x2700, s23  }
0x6: {  	[smem:$0x7FF] =	sst s2;
	s6 =	smul.u32 $0x4E000, s23;
	s5 =	sadd.s32 $0xD5800, s9  }
0x7: {  	s31 =	sshll.u32 s23, $0x6;
	p0 =	sne.s32 s23, $0x0;
	p2 =	seq.s32 s23, $0x0  }
0x8: {  	s3 =	sshll.u32 s12, $0x4;
	_ =	strace $0x8000004A;
	s8 =	ssub.s32 $0x2, s12  }
0x9: {  	p1 =	seq.s32 s12, $0x1;
	s3 =	sor.u32 s23, s3;
	s7 =	sadd.s32 s13, s9  }
0xa: {  	s10 =	sshrl.u32 s8, $0x1;
	s6 =	sshrl.u32 s6, $0x2;
	s23 =	simm.s32 $0x0  }
0xb: {  	s4 =	smul.u32 $0x280, s3;
	s3 =	sadd.s32 $0x2200, s9;
	s14 =	ssub.s32 s8, s10  }
.Ltmp0:
0xc: {  	s15 =	sadd.s32 s6, s1;
	s6 =	sadd.s32 $0x55600, s7;
	(pc) =	sbr.rel .LBB2_1-.Ltmp0, $4  }
0xd: {  	s7 =	sor.u32 $0x1C02, s31;
	s8 =	sadd.s32 $0x138000, s1;
	s14 =	smax.u32 s14, $0x1  }
0xe: {  	s15 =	sshrl.u32 s15, $0x3;
	s17 =	sshrl.u32 @!p0 s8, $0x3;
	s11 =	sadd.s32 s4, s9  }
0xf: {  	s4 =	sadd.s32 $0x29400, s9;
	s9 =	sadd.s32 $0x7C600, s9;
	s10 =	sadd.s32 $0xCB800, s11  }
0x10: {  	s11 =	sadd.s32 $0xD0800, s11;
	s12 =	sadd.s32 s4, s13;
	s13 =	sadd.s32 s5, s13  }
.LBB2_6:
0x11: {  	s24 =	sadd.s32 $0x27000, s24;
	s25 =	sshrl.u32 s8, $0x3  }
0x12: {  	[hbm:s24], [sflag:s7] =	dma.local [spmem:s25], $0x100  }
0x13: {  	_ =	swait.ge [sflag:s16], $0x100  }
0x14: {  	[sflag:s16] =	ssyncset.done $0x0  }
0x15: {  	[sflag:s16] =	ssyncadd.s32 $0xFFFFFF00  }
.LBB2_7:
0x16: {  	s23 =	sadd.s32 $0x1, s23  }
0x17: {  	p3 =	sne.s32 s23, s14  }
.Ltmp1:
0x18: {  	_ = 	snop;
	(pc) =	sbr.rel @!p3 .LBB2_8-.Ltmp1, $1  }
0x19: {  	_ =	sdelay $0x3  }
.LBB2_1:
0x1a: {  	[spmem:s15], [sflag:s7] =	dma.local [hbm:s6], $0x2700  }
0x1b: {  	_ =	swait.ge [sflag:s16], $0x2700  }
0x1c: {  	[sflag:s16] =	ssyncset.done $0x0  }
0x1d: {  	s24 =	simm.s32 @!p0 $0x2;
	[sflag:s16] =	ssyncadd.s32 $0xFFFFD900  }
0x1e: {  	[spmem:s17], [sflag:s7] =	dma.local @!p0 [hbm:s9], $0x100  }
0x1f: {  	_ =	swait.ge @!p0 [sflag:s24], $0x100  }
0x20: {  	[sflag:s24] =	ssyncset.done @!p0 $0x0  }
0x21: {  	[sflag:s24] =	ssyncadd.s32 @!p0 $0xFFFFFF00  }
0x22: {  	[tilespmem:s18], [sflag:$0x2] =	stream.linear.gather [hbm4b:s10+s2], $0x1400, $0x38;
	[tilespmem:$0x1A080] =	vst v63  }
0x23: {  	_ =	swait.ge [sflag:s16], $0x1400  }
0x24: {  	[sflag:s16] =	ssyncset.done $0x0  }
0x25: {  	[sflag:s16] =	ssyncadd.s32 $0xFFFFEC00  }
0x26: {  	[tilespmem:s19], [sflag:$0x2] =	stream.linear.gather [hbm4b:s11+s2], $0x1400, $0x38;
	[tilespmem:$0x1A080] =	vst v63  }
0x27: {  	_ =	swait.ge [sflag:s16], $0x1400  }
0x28: {  	[sflag:s16] =	ssyncset.done $0x0  }
0x29: {  	[sflag:s16] =	ssyncadd.s32 $0xFFFFEC00  }
0x2a: {  	s30 =	simm.s32 $0x13880;
	[bflag:$0x0] =	sbarrier.arrive $0xFFFF  }
0x2b: {  	[tilespmem:s21], [sflag:$0x1] =	stream.indirect.gather [hbm4b:s3+s20], $0x80, s30, s20, $0xb8;
	[tilespmem:$0x1A080] =	vst v63  }
0x2c: {  	_ =	swait.ge [sflag:s22], $0x3E80  }
0x2d: {  	[sflag:s22] =	ssyncset.done $0x0  }
0x2e: {  	s31 =	simm.s32 $0x14C80;
	[sflag:s22] =	ssyncadd.s32 $0xFFFFC180  }
0x2f: {  	[spmem:s1] =	stream.indirect.scatter.add.f32 [tilespmem:s21], [sflag:$0x2], $0x80, s31, s20, $0xb8;
	[tilespmem:$0x1A080] =	vst v63  }
0x30: {  	_ =	swait.ge [sflag:s16], $0x3E80  }
0x31: {  	s25 =	simm.s32 $0x400;
	s24 =	simm.s32 $0x80;
	[sflag:s16] =	ssyncset.done $0x0  }
.LBB2_2:
0x32: {  	s26 =	sadd.s32 $0x13880, s24  }
0x33: {  	[sflag:s16] =	ssyncadd.s32 $0xFFFFC180;
	s28 =	smov.u32 s25;
	s29 =	sadd.s32 $0x200, s25  }
0x34: {  	[tilespmem:s21], [sflag:$0x1] =	stream.indirect.gather [hbm4b:s3+s20], $0x80, s26, s20, $0xb8;
	[tilespmem:$0x1A080] =	vst v63  }
0x35: {  	p3 =	sne.s32 s25, $0x4E00;
	_ =	swait.ge [sflag:s22], $0x3E80  }
.Ltmp2:
0x36: {  	[sflag:s22] =	ssyncset.done $0x0;
	(pc) =	sbr.rel @p3 .LBB2_2-.Ltmp2, $4  }
0x37: {  	s24 =	sadd.s32 $0x14C80, s24;
	[sflag:s22] =	ssyncadd.s32 $0xFFFFC180  }
0x38: {  	[spmem:s1] =	stream.indirect.scatter.add.f32 [tilespmem:s21], [sflag:$0x2], $0x80, s24, s20, $0xb8;
	[tilespmem:$0x1A080] =	vst v63  }
0x39: {  	_ =	swait.ge [sflag:s16], $0x3E80  }
0x3a: {  	s25 =	smov.u32 s29;
	s24 =	sshra.s32 s28, $0x2;
	[sflag:s16] =	ssyncset.done $0x0  }
0x3b: {  	s25 =	sadd.s32 $0x13880, s24;
	[sflag:s16] =	ssyncadd.s32 $0xFFFFC180  }
0x3c: {  	[tilespmem:s21], [sflag:$0x1] =	stream.indirect.gather [hbm4b:s3+s20], $0x80, s25, s20, $0xb8;
	[tilespmem:$0x1A080] =	vst v63  }
0x3d: {  	_ =	swait.ge [sflag:s22], $0x3E80  }
0x3e: {  	[sflag:s22] =	ssyncset.done $0x0  }
0x3f: {  	s31 =	sadd.s32 $0x14C80, s24;
	[sflag:s22] =	ssyncadd.s32 $0xFFFFC180  }
0x40: {  	[spmem:s1] =	stream.indirect.scatter.add.f32 [tilespmem:s21], [sflag:$0x2], $0x80, s31, s20, $0xb8;
	[tilespmem:$0x1A080] =	vst v63  }
.Ltmp3:
0x41: {  	_ =	swait.ge [sflag:s16], $0x3E80;
	(pc) =	sbr.rel @!p1 .LBB2_4-.Ltmp3, $3  }
0x42: {  	[sflag:s16] =	ssyncset.done $0x0  }
0x43: {  	[sflag:s16] =	ssyncadd.s32 $0xFFFFC180  }
0x44: {  	[bflag:$0x0] =	sbarrier.arrive $0xFFFF;
	_ =	sdelay $0x1  }
0x45: {  	[hbm:s13], [sflag:s7] =	dma.local [spmem:s15], $0x2700  }
.Ltmp4:
0x46: {  	_ = 	snop;
	(pc) =	sbr.rel @p0 .LBB2_7-.Ltmp4, $4  }
.Ltmp5:
0x47: {  	_ = 	snop;
	(pc) =	sbr.rel @!p0 .LBB2_6-.Ltmp5, $4  }
0x48: {  	_ =	swait.ge [sflag:s16], $0x2700  }
0x49: {  	[sflag:s16] =	ssyncset.done $0x0  }
0x4a: {  	s24 =	smov.u32 s5;
	[sflag:s16] =	ssyncadd.s32 $0xFFFFD900  }
0x4b: {  	_ = 	snop  }
.LBB2_4:
0x4c: {  	[hbm:s12], [sflag:s7] =	dma.local [spmem:s15], $0x2700  }
.Ltmp6:
0x4d: {  	_ = 	snop;
	(pc) =	sbr.rel @!p2 .LBB2_7-.Ltmp6, $4  }
.Ltmp7:
0x4e: {  	_ = 	snop;
	(pc) =	sbr.rel @p2 .LBB2_6-.Ltmp7, $4  }
0x4f: {  	_ =	swait.ge [sflag:s16], $0x2700  }
0x50: {  	[sflag:s16] =	ssyncset.done $0x0  }
0x51: {  	s24 =	smov.u32 s4;
	[sflag:s16] =	ssyncadd.s32 $0xFFFFD900  }
0x52: {  	_ = 	snop  }
.LBB2_8:
0x53: {  	_ =	sfence.sel $0x180000  }
0x54: {  	[bflag:$0x0] =	sbarrier.arrive $0xFFFF  }
0x55: {  	_ =	strace $0x9000004A  }
0x56: {  	s0 =	sadd.s32 @!p0 $0x100000, s0;
	[bflag:$0x2] =	sbarrier.arrive $0xFFFF  }
0x57: {  	[sflag:s0] =	ssyncadd.tile.s32 @!p0 $0x1;
	_ =	shalt  }
.Lfunc_end2:
_tile_overlayer_lowered:
.L_overlay_start_2:
0x58: {  	(tag) =	ssettag $0x2  }
0x59: {  	s0 =	rddreg [dreg:$0x0];
	s2 =	stileid.u32  }
0x5a: {  	s1 =	rddreg [dreg:$0x1];
	p0 =	sne.s32 s2, $0x0  }
0x5b: {  	s3 =	rddreg [dreg:$0x2];
	[bflag:$0x3] =	sbarrier.arrive $0xFFFF;
	s2 =	simm.s32 @!p0 $0x1C02  }
0x5c: {  	[timem:s3], [sflag:s2] =	dma.local @!p0 [hbm:s0], s1  }
0x5d: {  	s0 =	simm.s32 @!p0 $0x2  }
0x5e: {  	_ =	swait.ge @!p0 [sflag:s0], s1  }
0x5f: {  	s1 =	ssub.s32 @!p0 $0x0, s1;
	[sflag:s0] =	ssyncset.done @!p0 $0x0  }
0x60: {  	[sflag:s0] =	ssyncadd.s32 @!p0 s1  }
0x61: {  	[bflag:$0x3] =	sbarrier.arrive $0xFFFF  }
0x62: {  	_ =	shalt  }

</sc_bundles>
